<compile_context>
chip_gen: v7x
topology: tpu7x:2x2x1
jax: 0.10.2.dev20260603
libtpu: 0.0.44.dev20260713+nightly
codegen_flags: <defaults>
</compile_context>

<pallas_src>
import numpy as np
import jax
import jax.numpy as jnp
from jax import lax
from jax.experimental import pallas as pl
from jax.experimental.pallas import tpu as pltpu
from jax.experimental.pallas import tpu_sc as plsc

_NB_CLASSES = 1000
_N_ROWS = 16384
_SMOOTH = np.float32(0.1)
_LOW = _SMOOTH / np.float32(_NB_CLASSES)
_HOT = (np.float32(1.0) - _SMOOTH) + _LOW

_NC = 2
_NS = 16
_NW = _NC * _NS
_ROWS_PER_W = _N_ROWS // _NW
_R = 64
_CHUNK = _R * _NB_CLASSES
_NCHUNK = _ROWS_PER_W // _R
_NBUF = 2
_G = _R // 16


def _onehot_body(x_hbm, out_hbm, x_v, buf0, buf1, sem0, sem1):
    wid = lax.axis_index("s") * _NC + lax.axis_index("c")
    base_row = wid * _ROWS_PER_W
    pltpu.sync_copy(x_hbm.at[pl.ds(base_row, _ROWS_PER_W)], x_v)

    lane = lax.iota(jnp.int32, 16)
    low = jnp.full((16,), _LOW, jnp.float32)
    hot = jnp.full((16,), _HOT, jnp.float32)

    for buf in (buf0, buf1):
        def _fill(i, _, buf=buf):
            buf[pl.ds(pl.multiple_of(i * 16, 16), 16)] = low
            return 0
        lax.fori_loop(0, _CHUNK // 16, _fill, 0)

    bufs = (buf0, buf1)
    sems = (sem0, sem1)
    pending = [None] * _NBUF
    for chunk in range(_NCHUNK):
        b = chunk % _NBUF
        buf = bufs[b]
        if pending[b] is not None:
            pending[b].wait()
            prev = chunk - _NBUF
            for g in range(_G):
                cols = x_v[pl.ds(prev * _R + g * 16, 16)]
                flat = (lane + g * 16) * _NB_CLASSES + cols
                plsc.store_scatter(buf, [flat], low)
        for g in range(_G):
            cols = x_v[pl.ds(chunk * _R + g * 16, 16)]
            flat = (lane + g * 16) * _NB_CLASSES + cols
            plsc.store_scatter(buf, [flat], hot)
        pending[b] = pltpu.async_copy(
            buf,
            out_hbm.at[pl.ds((base_row + chunk * _R) * _NB_CLASSES, _CHUNK)],
            sems[b])
    for b in range(_NBUF):
        if pending[b] is not None:
            pending[b].wait()


def kernel(x):
    x = x.astype(jnp.int32)
    run = pl.kernel(
        _onehot_body,
        out_type=jax.ShapeDtypeStruct((_N_ROWS * _NB_CLASSES,), jnp.float32),
        mesh=plsc.VectorSubcoreMesh(core_axis_name="c", subcore_axis_name="s"),
        compiler_params=pltpu.CompilerParams(needs_layout_passes=False),
        scratch_types=[
            pltpu.VMEM((_ROWS_PER_W,), jnp.int32),
            pltpu.VMEM((_CHUNK,), jnp.float32),
            pltpu.VMEM((_CHUNK,), jnp.float32),
            pltpu.SemaphoreType.DMA,
            pltpu.SemaphoreType.DMA,
        ],
    )
    return run(x).reshape(_N_ROWS, _NB_CLASSES)

# --- scband reference (transcript-rebuilt; emitter-appended) ---
"""Pipeline reference for scband-one-hot-39633958208265 (READ-ONLY COPY).

The authoritative reference and input builder live on the scoring server;
editing this copy changes nothing except your own understanding.
"""

import jax, jax.numpy as jnp
import numpy as np

NB_CLASSES = 1000
SMOOTH = 0.1


def setup_inputs(seed: int = 0) -> dict:
    key = jax.random.key(seed)
    x = jax.random.randint(key, (16384,), 0, NB_CLASSES, dtype=jnp.int64 if jax.config.jax_enable_x64 else jnp.int32)
    return {"x": x}


def reference(x) -> jnp.ndarray:
    # nums_to_smooth_onehot: one-hot encode then apply label smoothing
    # onehot * (1 - smooth) + smooth / nb_classes
    onehot = jax.nn.one_hot(x, NB_CLASSES, dtype=jnp.float32)
    out = onehot * (1.0 - SMOOTH) + SMOOTH / NB_CLASSES
    return out

if __name__ == "__main__":
    import jax
    _d = setup_inputs()
    print(jax.jit(kernel)(*tuple(_d.values())))

</pallas_src>

<mosaic_0001>
#map = affine_map<(d0, d1) -> (0)>
module attributes {stable_mosaic.version = 14 : i64} {
  func.func @_onehot_body(%arg0: i32, %arg1: i32, %arg2: memref<16384xi32, #tpu.memory_space<hbm>>, %arg3: memref<16384000xf32, #tpu.memory_space<hbm>>, %arg4: memref<512xi32, #tpu.memory_space<vmem>>, %arg5: memref<64000xf32, #tpu.memory_space<vmem>>, %arg6: memref<64000xf32, #tpu.memory_space<vmem>>, %arg7: memref<!tpu.dma_semaphore, #tpu.memory_space<semaphore_mem>>, %arg8: memref<!tpu.dma_semaphore, #tpu.memory_space<semaphore_mem>>) attributes {dimension_semantics = [#tpu.dimension_semantics<core_parallel>, #tpu.dimension_semantics<subcore_parallel>], iteration_bounds = array<i64: 2, 16>, scalar_prefetch = 0 : i64, scratch_operands = 5 : i64, tpu.core_type = #tpu.core_type<sc_vector_subcore>, window_params = [{transform_indices = #map}, {transform_indices = #map}]} {
    %mul3A = arith.constant 2 : i32
    %mul3A_0 = arith.muli %arg1, %mul3A : i32
    %add3A = arith.addi %mul3A_0, %arg0 : i32
    %mul3A_1 = arith.constant 512 : i32
    %mul3A_2 = arith.muli %add3A, %mul3A_1 : i32
    "tpu.region"() ({
      %run_scoped3A = tpu.sem_alloc : memref<!tpu.dma_semaphore, #tpu.memory_space<semaphore_mem>>
      %dma_start3A_584 = tpu.memref_slice %arg2[%mul3A_2] : memref<16384xi32, #tpu.memory_space<hbm>> -> memref<512xi32, #tpu.memory_space<hbm>>
      %dma_start3A_585 = tpu.memref_slice %arg2[%mul3A_2] : memref<16384xi32, #tpu.memory_space<hbm>> -> memref<512xi32, #tpu.memory_space<hbm>>
      tpu.enqueue_dma source(%dma_start3A_585 : memref<512xi32, #tpu.memory_space<hbm>>) target(%arg4 : memref<512xi32, #tpu.memory_space<vmem>>) target_semaphore(%run_scoped3A : memref<!tpu.dma_semaphore, #tpu.memory_space<semaphore_mem>>)
      %dma_wait3A_586 = tpu.memref_slice %arg2[%mul3A_2] : memref<16384xi32, #tpu.memory_space<hbm>> -> memref<512xi32, #tpu.memory_space<hbm>>
      %dma_wait3A_587 = tpu.memref_slice %arg2[%mul3A_2] : memref<16384xi32, #tpu.memory_space<hbm>> -> memref<512xi32, #tpu.memory_space<hbm>>
      tpu.wait_dma2 semaphore(%run_scoped3A : memref<!tpu.dma_semaphore, #tpu.memory_space<semaphore_mem>>) src(%dma_wait3A_587 : memref<512xi32, #tpu.memory_space<hbm>>) dst(%arg4 : memref<512xi32, #tpu.memory_space<vmem>>)
      tpu.yield
    }) : () -> ()
    %iota3A = tpu.iota {dimensions = array<i32: 0>} : vector<16xi32>
    %broadcast_in_dim3A = arith.constant 1.00000005E-4 : f32
    %broadcast_in_dim3A_3 = vector.broadcast %broadcast_in_dim3A : f32 to vector<16xf32>
    %broadcast_in_dim3A_4 = arith.constant 9.001000e-01 : f32
    %broadcast_in_dim3A_5 = vector.broadcast %broadcast_in_dim3A_4 : f32 to vector<16xf32>
    %scan3A = arith.constant 0 : i32
    %scan3A_6 = arith.constant 0 : i32
    %scan3A_7 = arith.constant 4000 : i32
    %scan3A_8 = arith.addi %scan3A_6, %scan3A_7 : i32
    %scan3A_9 = arith.constant 1 : i32
    %scan3A_10 = scf.for %scan3A_584 = %scan3A_6 to %scan3A_8 step %scan3A_9 iter_args(%scan3A_585 = %scan3A) -> (i32)  : i32 {
      %mul3A_586 = arith.constant 16 : i32
      %mul3A_587 = arith.muli %scan3A_584, %mul3A_586 : i32
      %multiple_of3A = tpu.assume_multiple %mul3A_587, 16 : i32
      %swap3A = arith.index_cast %multiple_of3A : i32 to index
      %swap3A_588 = tpu.vector_load %arg5[%swap3A] {strides = array<i32>} : memref<64000xf32, #tpu.memory_space<vmem>>, vector<16xf32>,
      tpu.vector_store %arg5[%swap3A], %broadcast_in_dim3A_3 {strides = array<i32>} : memref<64000xf32, #tpu.memory_space<vmem>>, vector<16xf32>,
      %scan3A_589 = arith.constant 0 : i32
      scf.yield %scan3A_589 : i32
    }
    %scan3A_11 = arith.constant 4000 : i32
    %scan3A_12 = arith.constant 0 : i32
    %scan3A_13 = arith.constant 0 : i32
    %scan3A_14 = arith.constant 4000 : i32
    %scan3A_15 = arith.addi %scan3A_13, %scan3A_14 : i32
    %scan3A_16 = arith.constant 1 : i32
    %scan3A_17 = scf.for %scan3A_584 = %scan3A_13 to %scan3A_15 step %scan3A_16 iter_args(%scan3A_585 = %scan3A_12) -> (i32)  : i32 {
      %mul3A_586 = arith.constant 16 : i32
      %mul3A_587 = arith.muli %scan3A_584, %mul3A_586 : i32
      %multiple_of3A = tpu.assume_multiple %mul3A_587, 16 : i32
      %swap3A = arith.index_cast %multiple_of3A : i32 to index
      %swap3A_588 = tpu.vector_load %arg6[%swap3A] {strides = array<i32>} : memref<64000xf32, #tpu.memory_space<vmem>>, vector<16xf32>,
      tpu.vector_store %arg6[%swap3A], %broadcast_in_dim3A_3 {strides = array<i32>} : memref<64000xf32, #tpu.memory_space<vmem>>, vector<16xf32>,
      %scan3A_589 = arith.constant 0 : i32
      scf.yield %scan3A_589 : i32
    }
    %scan3A_18 = arith.constant 4000 : i32
    %get3A = arith.constant 0 : index
    %get3A_19 = tpu.vector_load %arg4[%get3A] {strides = array<i32>} : memref<512xi32, #tpu.memory_space<vmem>>, vector<16xi32>,
    %add3A_20 = arith.constant 0 : i32
    %add3A_21 = vector.broadcast %add3A_20 : i32 to vector<16xi32>
    %add3A_22 = arith.addi %iota3A, %add3A_21 : vector<16xi32>
    %mul3A_23 = arith.constant 1000 : i32
    %mul3A_24 = vector.broadcast %mul3A_23 : i32 to vector<16xi32>
    %mul3A_25 = arith.muli %add3A_22, %mul3A_24 : vector<16xi32>
    %add3A_26 = arith.addi %mul3A_25, %get3A_19 : vector<16xi32>
    tpu.vector_store_idx %arg5[%add3A_26], %broadcast_in_dim3A_5 : memref<64000xf32, #tpu.memory_space<vmem>>[vector<16xi32>], vector<16xf32>,
    %get3A_27 = arith.constant 16 : index
    %get3A_28 = tpu.vector_load %arg4[%get3A_27] {strides = array<i32>} : memref<512xi32, #tpu.memory_space<vmem>>, vector<16xi32>,
    %add3A_29 = arith.constant 16 : i32
    %add3A_30 = vector.broadcast %add3A_29 : i32 to vector<16xi32>
    %add3A_31 = arith.addi %iota3A, %add3A_30 : vector<16xi32>
    %mul3A_32 = arith.constant 1000 : i32
    %mul3A_33 = vector.broadcast %mul3A_32 : i32 to vector<16xi32>
    %mul3A_34 = arith.muli %add3A_31, %mul3A_33 : vector<16xi32>
    %add3A_35 = arith.addi %mul3A_34, %get3A_28 : vector<16xi32>
    tpu.vector_store_idx %arg5[%add3A_35], %broadcast_in_dim3A_5 : memref<64000xf32, #tpu.memory_space<vmem>>[vector<16xi32>], vector<16xf32>,
    %get3A_36 = arith.constant 32 : index
    %get3A_37 = tpu.vector_load %arg4[%get3A_36] {strides = array<i32>} : memref<512xi32, #tpu.memory_space<vmem>>, vector<16xi32>,
    %add3A_38 = arith.constant 32 : i32
    %add3A_39 = vector.broadcast %add3A_38 : i32 to vector<16xi32>
    %add3A_40 = arith.addi %iota3A, %add3A_39 : vector<16xi32>
    %mul3A_41 = arith.constant 1000 : i32
    %mul3A_42 = vector.broadcast %mul3A_41 : i32 to vector<16xi32>
    %mul3A_43 = arith.muli %add3A_40, %mul3A_42 : vector<16xi32>
    %add3A_44 = arith.addi %mul3A_43, %get3A_37 : vector<16xi32>
    tpu.vector_store_idx %arg5[%add3A_44], %broadcast_in_dim3A_5 : memref<64000xf32, #tpu.memory_space<vmem>>[vector<16xi32>], vector<16xf32>,
    %get3A_45 = arith.constant 48 : index
    %get3A_46 = tpu.vector_load %arg4[%get3A_45] {strides = array<i32>} : memref<512xi32, #tpu.memory_space<vmem>>, vector<16xi32>,
    %add3A_47 = arith.constant 48 : i32
    %add3A_48 = vector.broadcast %add3A_47 : i32 to vector<16xi32>
    %add3A_49 = arith.addi %iota3A, %add3A_48 : vector<16xi32>
    %mul3A_50 = arith.constant 1000 : i32
    %mul3A_51 = vector.broadcast %mul3A_50 : i32 to vector<16xi32>
    %mul3A_52 = arith.muli %add3A_49, %mul3A_51 : vector<16xi32>
    %add3A_53 = arith.addi %mul3A_52, %get3A_46 : vector<16xi32>
    tpu.vector_store_idx %arg5[%add3A_53], %broadcast_in_dim3A_5 : memref<64000xf32, #tpu.memory_space<vmem>>[vector<16xi32>], vector<16xf32>,
    %add3A_54 = arith.constant 0 : i32
    %add3A_55 = arith.addi %mul3A_2, %add3A_54 : i32
    %mul3A_56 = arith.constant 1000 : i32
    %mul3A_57 = arith.muli %add3A_55, %mul3A_56 : i32
    %dma_start3A = tpu.memref_slice %arg3[%mul3A_57] : memref<16384000xf32, #tpu.memory_space<hbm>> -> memref<64000xf32, #tpu.memory_space<hbm>>
    %dma_start3A_58 = tpu.memref_slice %arg3[%mul3A_57] : memref<16384000xf32, #tpu.memory_space<hbm>> -> memref<64000xf32, #tpu.memory_space<hbm>>
    tpu.enqueue_dma source(%arg5 : memref<64000xf32, #tpu.memory_space<vmem>>) target(%dma_start3A_58 : memref<64000xf32, #tpu.memory_space<hbm>>) target_semaphore(%arg7 : memref<!tpu.dma_semaphore, #tpu.memory_space<semaphore_mem>>)
    %get3A_59 = arith.constant 64 : index
    %get3A_60 = tpu.vector_load %arg4[%get3A_59] {strides = array<i32>} : memref<512xi32, #tpu.memory_space<vmem>>, vector<16xi32>,
    %add3A_61 = arith.constant 0 : i32
    %add3A_62 = vector.broadcast %add3A_61 : i32 to vector<16xi32>
    %add3A_63 = arith.addi %iota3A, %add3A_62 : vector<16xi32>
    %mul3A_64 = arith.constant 1000 : i32
    %mul3A_65 = vector.broadcast %mul3A_64 : i32 to vector<16xi32>
    %mul3A_66 = arith.muli %add3A_63, %mul3A_65 : vector<16xi32>
    %add3A_67 = arith.addi %mul3A_66, %get3A_60 : vector<16xi32>
    tpu.vector_store_idx %arg6[%add3A_67], %broadcast_in_dim3A_5 : memref<64000xf32, #tpu.memory_space<vmem>>[vector<16xi32>], vector<16xf32>,
    %get3A_68 = arith.constant 80 : index
    %get3A_69 = tpu.vector_load %arg4[%get3A_68] {strides = array<i32>} : memref<512xi32, #tpu.memory_space<vmem>>, vector<16xi32>,
    %add3A_70 = arith.constant 16 : i32
    %add3A_71 = vector.broadcast %add3A_70 : i32 to vector<16xi32>
    %add3A_72 = arith.addi %iota3A, %add3A_71 : vector<16xi32>
    %mul3A_73 = arith.constant 1000 : i32
    %mul3A_74 = vector.broadcast %mul3A_73 : i32 to vector<16xi32>
    %mul3A_75 = arith.muli %add3A_72, %mul3A_74 : vector<16xi32>
    %add3A_76 = arith.addi %mul3A_75, %get3A_69 : vector<16xi32>
    tpu.vector_store_idx %arg6[%add3A_76], %broadcast_in_dim3A_5 : memref<64000xf32, #tpu.memory_space<vmem>>[vector<16xi32>], vector<16xf32>,
    %get3A_77 = arith.constant 96 : index
    %get3A_78 = tpu.vector_load %arg4[%get3A_77] {strides = array<i32>} : memref<512xi32, #tpu.memory_space<vmem>>, vector<16xi32>,
    %add3A_79 = arith.constant 32 : i32
    %add3A_80 = vector.broadcast %add3A_79 : i32 to vector<16xi32>
    %add3A_81 = arith.addi %iota3A, %add3A_80 : vector<16xi32>
    %mul3A_82 = arith.constant 1000 : i32
    %mul3A_83 = vector.broadcast %mul3A_82 : i32 to vector<16xi32>
    %mul3A_84 = arith.muli %add3A_81, %mul3A_83 : vector<16xi32>
    %add3A_85 = arith.addi %mul3A_84, %get3A_78 : vector<16xi32>
    tpu.vector_store_idx %arg6[%add3A_85], %broadcast_in_dim3A_5 : memref<64000xf32, #tpu.memory_space<vmem>>[vector<16xi32>], vector<16xf32>,
    %get3A_86 = arith.constant 112 : index
    %get3A_87 = tpu.vector_load %arg4[%get3A_86] {strides = array<i32>} : memref<512xi32, #tpu.memory_space<vmem>>, vector<16xi32>,
    %add3A_88 = arith.constant 48 : i32
    %add3A_89 = vector.broadcast %add3A_88 : i32 to vector<16xi32>
    %add3A_90 = arith.addi %iota3A, %add3A_89 : vector<16xi32>
    %mul3A_91 = arith.constant 1000 : i32
    %mul3A_92 = vector.broadcast %mul3A_91 : i32 to vector<16xi32>
    %mul3A_93 = arith.muli %add3A_90, %mul3A_92 : vector<16xi32>
    %add3A_94 = arith.addi %mul3A_93, %get3A_87 : vector<16xi32>
    tpu.vector_store_idx %arg6[%add3A_94], %broadcast_in_dim3A_5 : memref<64000xf32, #tpu.memory_space<vmem>>[vector<16xi32>], vector<16xf32>,
    %add3A_95 = arith.constant 64 : i32
    %add3A_96 = arith.addi %mul3A_2, %add3A_95 : i32
    %mul3A_97 = arith.constant 1000 : i32
    %mul3A_98 = arith.muli %add3A_96, %mul3A_97 : i32
    %dma_start3A_99 = tpu.memref_slice %arg3[%mul3A_98] : memref<16384000xf32, #tpu.memory_space<hbm>> -> memref<64000xf32, #tpu.memory_space<hbm>>
    %dma_start3A_100 = tpu.memref_slice %arg3[%mul3A_98] : memref<16384000xf32, #tpu.memory_space<hbm>> -> memref<64000xf32, #tpu.memory_space<hbm>>
    tpu.enqueue_dma source(%arg6 : memref<64000xf32, #tpu.memory_space<vmem>>) target(%dma_start3A_100 : memref<64000xf32, #tpu.memory_space<hbm>>) target_semaphore(%arg8 : memref<!tpu.dma_semaphore, #tpu.memory_space<semaphore_mem>>)
    %dma_wait3A = tpu.memref_slice %arg3[%mul3A_57] : memref<16384000xf32, #tpu.memory_space<hbm>> -> memref<64000xf32, #tpu.memory_space<hbm>>
    %dma_wait3A_101 = tpu.memref_slice %arg3[%mul3A_57] : memref<16384000xf32, #tpu.memory_space<hbm>> -> memref<64000xf32, #tpu.memory_space<hbm>>
    tpu.wait_dma2 semaphore(%arg7 : memref<!tpu.dma_semaphore, #tpu.memory_space<semaphore_mem>>) src(%arg5 : memref<64000xf32, #tpu.memory_space<vmem>>) dst(%dma_wait3A_101 : memref<64000xf32, #tpu.memory_space<hbm>>)
    %get3A_102 = arith.constant 0 : index
    %get3A_103 = tpu.vector_load %arg4[%get3A_102] {strides = array<i32>} : memref<512xi32, #tpu.memory_space<vmem>>, vector<16xi32>,
    %add3A_104 = arith.constant 0 : i32
    %add3A_105 = vector.broadcast %add3A_104 : i32 to vector<16xi32>
    %add3A_106 = arith.addi %iota3A, %add3A_105 : vector<16xi32>
    %mul3A_107 = arith.constant 1000 : i32
    %mul3A_108 = vector.broadcast %mul3A_107 : i32 to vector<16xi32>
    %mul3A_109 = arith.muli %add3A_106, %mul3A_108 : vector<16xi32>
    %add3A_110 = arith.addi %mul3A_109, %get3A_103 : vector<16xi32>
    tpu.vector_store_idx %arg5[%add3A_110], %broadcast_in_dim3A_3 : memref<64000xf32, #tpu.memory_space<vmem>>[vector<16xi32>], vector<16xf32>,
    %get3A_111 = arith.constant 16 : index
    %get3A_112 = tpu.vector_load %arg4[%get3A_111] {strides = array<i32>} : memref<512xi32, #tpu.memory_space<vmem>>, vector<16xi32>,
    %add3A_113 = arith.constant 16 : i32
    %add3A_114 = vector.broadcast %add3A_113 : i32 to vector<16xi32>
    %add3A_115 = arith.addi %iota3A, %add3A_114 : vector<16xi32>
    %mul3A_116 = arith.constant 1000 : i32
    %mul3A_117 = vector.broadcast %mul3A_116 : i32 to vector<16xi32>
    %mul3A_118 = arith.muli %add3A_115, %mul3A_117 : vector<16xi32>
    %add3A_119 = arith.addi %mul3A_118, %get3A_112 : vector<16xi32>
    tpu.vector_store_idx %arg5[%add3A_119], %broadcast_in_dim3A_3 : memref<64000xf32, #tpu.memory_space<vmem>>[vector<16xi32>], vector<16xf32>,
    %get3A_120 = arith.constant 32 : index
    %get3A_121 = tpu.vector_load %arg4[%get3A_120] {strides = array<i32>} : memref<512xi32, #tpu.memory_space<vmem>>, vector<16xi32>,
    %add3A_122 = arith.constant 32 : i32
    %add3A_123 = vector.broadcast %add3A_122 : i32 to vector<16xi32>
    %add3A_124 = arith.addi %iota3A, %add3A_123 : vector<16xi32>
    %mul3A_125 = arith.constant 1000 : i32
    %mul3A_126 = vector.broadcast %mul3A_125 : i32 to vector<16xi32>
    %mul3A_127 = arith.muli %add3A_124, %mul3A_126 : vector<16xi32>
    %add3A_128 = arith.addi %mul3A_127, %get3A_121 : vector<16xi32>
    tpu.vector_store_idx %arg5[%add3A_128], %broadcast_in_dim3A_3 : memref<64000xf32, #tpu.memory_space<vmem>>[vector<16xi32>], vector<16xf32>,
    %get3A_129 = arith.constant 48 : index
    %get3A_130 = tpu.vector_load %arg4[%get3A_129] {strides = array<i32>} : memref<512xi32, #tpu.memory_space<vmem>>, vector<16xi32>,
    %add3A_131 = arith.constant 48 : i32
    %add3A_132 = vector.broadcast %add3A_131 : i32 to vector<16xi32>
    %add3A_133 = arith.addi %iota3A, %add3A_132 : vector<16xi32>
    %mul3A_134 = arith.constant 1000 : i32
    %mul3A_135 = vector.broadcast %mul3A_134 : i32 to vector<16xi32>
    %mul3A_136 = arith.muli %add3A_133, %mul3A_135 : vector<16xi32>
    %add3A_137 = arith.addi %mul3A_136, %get3A_130 : vector<16xi32>
    tpu.vector_store_idx %arg5[%add3A_137], %broadcast_in_dim3A_3 : memref<64000xf32, #tpu.memory_space<vmem>>[vector<16xi32>], vector<16xf32>,
    %get3A_138 = arith.constant 128 : index
    %get3A_139 = tpu.vector_load %arg4[%get3A_138] {strides = array<i32>} : memref<512xi32, #tpu.memory_space<vmem>>, vector<16xi32>,
    %add3A_140 = arith.constant 0 : i32
    %add3A_141 = vector.broadcast %add3A_140 : i32 to vector<16xi32>
    %add3A_142 = arith.addi %iota3A, %add3A_141 : vector<16xi32>
    %mul3A_143 = arith.constant 1000 : i32
    %mul3A_144 = vector.broadcast %mul3A_143 : i32 to vector<16xi32>
    %mul3A_145 = arith.muli %add3A_142, %mul3A_144 : vector<16xi32>
    %add3A_146 = arith.addi %mul3A_145, %get3A_139 : vector<16xi32>
    tpu.vector_store_idx %arg5[%add3A_146], %broadcast_in_dim3A_5 : memref<64000xf32, #tpu.memory_space<vmem>>[vector<16xi32>], vector<16xf32>,
    %get3A_147 = arith.constant 144 : index
    %get3A_148 = tpu.vector_load %arg4[%get3A_147] {strides = array<i32>} : memref<512xi32, #tpu.memory_space<vmem>>, vector<16xi32>,
    %add3A_149 = arith.constant 16 : i32
    %add3A_150 = vector.broadcast %add3A_149 : i32 to vector<16xi32>
    %add3A_151 = arith.addi %iota3A, %add3A_150 : vector<16xi32>
    %mul3A_152 = arith.constant 1000 : i32
    %mul3A_153 = vector.broadcast %mul3A_152 : i32 to vector<16xi32>
    %mul3A_154 = arith.muli %add3A_151, %mul3A_153 : vector<16xi32>
    %add3A_155 = arith.addi %mul3A_154, %get3A_148 : vector<16xi32>
    tpu.vector_store_idx %arg5[%add3A_155], %broadcast_in_dim3A_5 : memref<64000xf32, #tpu.memory_space<vmem>>[vector<16xi32>], vector<16xf32>,
    %get3A_156 = arith.constant 160 : index
    %get3A_157 = tpu.vector_load %arg4[%get3A_156] {strides = array<i32>} : memref<512xi32, #tpu.memory_space<vmem>>, vector<16xi32>,
    %add3A_158 = arith.constant 32 : i32
    %add3A_159 = vector.broadcast %add3A_158 : i32 to vector<16xi32>
    %add3A_160 = arith.addi %iota3A, %add3A_159 : vector<16xi32>
    %mul3A_161 = arith.constant 1000 : i32
    %mul3A_162 = vector.broadcast %mul3A_161 : i32 to vector<16xi32>
    %mul3A_163 = arith.muli %add3A_160, %mul3A_162 : vector<16xi32>
    %add3A_164 = arith.addi %mul3A_163, %get3A_157 : vector<16xi32>
    tpu.vector_store_idx %arg5[%add3A_164], %broadcast_in_dim3A_5 : memref<64000xf32, #tpu.memory_space<vmem>>[vector<16xi32>], vector<16xf32>,
    %get3A_165 = arith.constant 176 : index
    %get3A_166 = tpu.vector_load %arg4[%get3A_165] {strides = array<i32>} : memref<512xi32, #tpu.memory_space<vmem>>, vector<16xi32>,
    %add3A_167 = arith.constant 48 : i32
    %add3A_168 = vector.broadcast %add3A_167 : i32 to vector<16xi32>
    %add3A_169 = arith.addi %iota3A, %add3A_168 : vector<16xi32>
    %mul3A_170 = arith.constant 1000 : i32
    %mul3A_171 = vector.broadcast %mul3A_170 : i32 to vector<16xi32>
    %mul3A_172 = arith.muli %add3A_169, %mul3A_171 : vector<16xi32>
    %add3A_173 = arith.addi %mul3A_172, %get3A_166 : vector<16xi32>
    tpu.vector_store_idx %arg5[%add3A_173], %broadcast_in_dim3A_5 : memref<64000xf32, #tpu.memory_space<vmem>>[vector<16xi32>], vector<16xf32>,
    %add3A_174 = arith.constant 128 : i32
    %add3A_175 = arith.addi %mul3A_2, %add3A_174 : i32
    %mul3A_176 = arith.constant 1000 : i32
    %mul3A_177 = arith.muli %add3A_175, %mul3A_176 : i32
    %dma_start3A_178 = tpu.memref_slice %arg3[%mul3A_177] : memref<16384000xf32, #tpu.memory_space<hbm>> -> memref<64000xf32, #tpu.memory_space<hbm>>
    %dma_start3A_179 = tpu.memref_slice %arg3[%mul3A_177] : memref<16384000xf32, #tpu.memory_space<hbm>> -> memref<64000xf32, #tpu.memory_space<hbm>>
    tpu.enqueue_dma source(%arg5 : memref<64000xf32, #tpu.memory_space<vmem>>) target(%dma_start3A_179 : memref<64000xf32, #tpu.memory_space<hbm>>) target_semaphore(%arg7 : memref<!tpu.dma_semaphore, #tpu.memory_space<semaphore_mem>>)
    %dma_wait3A_180 = tpu.memref_slice %arg3[%mul3A_98] : memref<16384000xf32, #tpu.memory_space<hbm>> -> memref<64000xf32, #tpu.memory_space<hbm>>
    %dma_wait3A_181 = tpu.memref_slice %arg3[%mul3A_98] : memref<16384000xf32, #tpu.memory_space<hbm>> -> memref<64000xf32, #tpu.memory_space<hbm>>
    tpu.wait_dma2 semaphore(%arg8 : memref<!tpu.dma_semaphore, #tpu.memory_space<semaphore_mem>>) src(%arg6 : memref<64000xf32, #tpu.memory_space<vmem>>) dst(%dma_wait3A_181 : memref<64000xf32, #tpu.memory_space<hbm>>)
    %get3A_182 = arith.constant 64 : index
    %get3A_183 = tpu.vector_load %arg4[%get3A_182] {strides = array<i32>} : memref<512xi32, #tpu.memory_space<vmem>>, vector<16xi32>,
    %add3A_184 = arith.constant 0 : i32
    %add3A_185 = vector.broadcast %add3A_184 : i32 to vector<16xi32>
    %add3A_186 = arith.addi %iota3A, %add3A_185 : vector<16xi32>
    %mul3A_187 = arith.constant 1000 : i32
    %mul3A_188 = vector.broadcast %mul3A_187 : i32 to vector<16xi32>
    %mul3A_189 = arith.muli %add3A_186, %mul3A_188 : vector<16xi32>
    %add3A_190 = arith.addi %mul3A_189, %get3A_183 : vector<16xi32>
    tpu.vector_store_idx %arg6[%add3A_190], %broadcast_in_dim3A_3 : memref<64000xf32, #tpu.memory_space<vmem>>[vector<16xi32>], vector<16xf32>,
    %get3A_191 = arith.constant 80 : index
    %get3A_192 = tpu.vector_load %arg4[%get3A_191] {strides = array<i32>} : memref<512xi32, #tpu.memory_space<vmem>>, vector<16xi32>,
    %add3A_193 = arith.constant 16 : i32
    %add3A_194 = vector.broadcast %add3A_193 : i32 to vector<16xi32>
    %add3A_195 = arith.addi %iota3A, %add3A_194 : vector<16xi32>
    %mul3A_196 = arith.constant 1000 : i32
    %mul3A_197 = vector.broadcast %mul3A_196 : i32 to vector<16xi32>
    %mul3A_198 = arith.muli %add3A_195, %mul3A_197 : vector<16xi32>
    %add3A_199 = arith.addi %mul3A_198, %get3A_192 : vector<16xi32>
    tpu.vector_store_idx %arg6[%add3A_199], %broadcast_in_dim3A_3 : memref<64000xf32, #tpu.memory_space<vmem>>[vector<16xi32>], vector<16xf32>,
    %get3A_200 = arith.constant 96 : index
    %get3A_201 = tpu.vector_load %arg4[%get3A_200] {strides = array<i32>} : memref<512xi32, #tpu.memory_space<vmem>>, vector<16xi32>,
    %add3A_202 = arith.constant 32 : i32
    %add3A_203 = vector.broadcast %add3A_202 : i32 to vector<16xi32>
    %add3A_204 = arith.addi %iota3A, %add3A_203 : vector<16xi32>
    %mul3A_205 = arith.constant 1000 : i32
    %mul3A_206 = vector.broadcast %mul3A_205 : i32 to vector<16xi32>
    %mul3A_207 = arith.muli %add3A_204, %mul3A_206 : vector<16xi32>
    %add3A_208 = arith.addi %mul3A_207, %get3A_201 : vector<16xi32>
    tpu.vector_store_idx %arg6[%add3A_208], %broadcast_in_dim3A_3 : memref<64000xf32, #tpu.memory_space<vmem>>[vector<16xi32>], vector<16xf32>,
    %get3A_209 = arith.constant 112 : index
    %get3A_210 = tpu.vector_load %arg4[%get3A_209] {strides = array<i32>} : memref<512xi32, #tpu.memory_space<vmem>>, vector<16xi32>,
    %add3A_211 = arith.constant 48 : i32
    %add3A_212 = vector.broadcast %add3A_211 : i32 to vector<16xi32>
    %add3A_213 = arith.addi %iota3A, %add3A_212 : vector<16xi32>
    %mul3A_214 = arith.constant 1000 : i32
    %mul3A_215 = vector.broadcast %mul3A_214 : i32 to vector<16xi32>
    %mul3A_216 = arith.muli %add3A_213, %mul3A_215 : vector<16xi32>
    %add3A_217 = arith.addi %mul3A_216, %get3A_210 : vector<16xi32>
    tpu.vector_store_idx %arg6[%add3A_217], %broadcast_in_dim3A_3 : memref<64000xf32, #tpu.memory_space<vmem>>[vector<16xi32>], vector<16xf32>,
    %get3A_218 = arith.constant 192 : index
    %get3A_219 = tpu.vector_load %arg4[%get3A_218] {strides = array<i32>} : memref<512xi32, #tpu.memory_space<vmem>>, vector<16xi32>,
    %add3A_220 = arith.constant 0 : i32
    %add3A_221 = vector.broadcast %add3A_220 : i32 to vector<16xi32>
    %add3A_222 = arith.addi %iota3A, %add3A_221 : vector<16xi32>
    %mul3A_223 = arith.constant 1000 : i32
    %mul3A_224 = vector.broadcast %mul3A_223 : i32 to vector<16xi32>
    %mul3A_225 = arith.muli %add3A_222, %mul3A_224 : vector<16xi32>
    %add3A_226 = arith.addi %mul3A_225, %get3A_219 : vector<16xi32>
    tpu.vector_store_idx %arg6[%add3A_226], %broadcast_in_dim3A_5 : memref<64000xf32, #tpu.memory_space<vmem>>[vector<16xi32>], vector<16xf32>,
    %get3A_227 = arith.constant 208 : index
    %get3A_228 = tpu.vector_load %arg4[%get3A_227] {strides = array<i32>} : memref<512xi32, #tpu.memory_space<vmem>>, vector<16xi32>,
    %add3A_229 = arith.constant 16 : i32
    %add3A_230 = vector.broadcast %add3A_229 : i32 to vector<16xi32>
    %add3A_231 = arith.addi %iota3A, %add3A_230 : vector<16xi32>
    %mul3A_232 = arith.constant 1000 : i32
    %mul3A_233 = vector.broadcast %mul3A_232 : i32 to vector<16xi32>
    %mul3A_234 = arith.muli %add3A_231, %mul3A_233 : vector<16xi32>
    %add3A_235 = arith.addi %mul3A_234, %get3A_228 : vector<16xi32>
    tpu.vector_store_idx %arg6[%add3A_235], %broadcast_in_dim3A_5 : memref<64000xf32, #tpu.memory_space<vmem>>[vector<16xi32>], vector<16xf32>,
    %get3A_236 = arith.constant 224 : index
    %get3A_237 = tpu.vector_load %arg4[%get3A_236] {strides = array<i32>} : memref<512xi32, #tpu.memory_space<vmem>>, vector<16xi32>,
    %add3A_238 = arith.constant 32 : i32
    %add3A_239 = vector.broadcast %add3A_238 : i32 to vector<16xi32>
    %add3A_240 = arith.addi %iota3A, %add3A_239 : vector<16xi32>
    %mul3A_241 = arith.constant 1000 : i32
    %mul3A_242 = vector.broadcast %mul3A_241 : i32 to vector<16xi32>
    %mul3A_243 = arith.muli %add3A_240, %mul3A_242 : vector<16xi32>
    %add3A_244 = arith.addi %mul3A_243, %get3A_237 : vector<16xi32>
    tpu.vector_store_idx %arg6[%add3A_244], %broadcast_in_dim3A_5 : memref<64000xf32, #tpu.memory_space<vmem>>[vector<16xi32>], vector<16xf32>,
    %get3A_245 = arith.constant 240 : index
    %get3A_246 = tpu.vector_load %arg4[%get3A_245] {strides = array<i32>} : memref<512xi32, #tpu.memory_space<vmem>>, vector<16xi32>,
    %add3A_247 = arith.constant 48 : i32
    %add3A_248 = vector.broadcast %add3A_247 : i32 to vector<16xi32>
    %add3A_249 = arith.addi %iota3A, %add3A_248 : vector<16xi32>
    %mul3A_250 = arith.constant 1000 : i32
    %mul3A_251 = vector.broadcast %mul3A_250 : i32 to vector<16xi32>
    %mul3A_252 = arith.muli %add3A_249, %mul3A_251 : vector<16xi32>
    %add3A_253 = arith.addi %mul3A_252, %get3A_246 : vector<16xi32>
    tpu.vector_store_idx %arg6[%add3A_253], %broadcast_in_dim3A_5 : memref<64000xf32, #tpu.memory_space<vmem>>[vector<16xi32>], vector<16xf32>,
    %add3A_254 = arith.constant 192 : i32
    %add3A_255 = arith.addi %mul3A_2, %add3A_254 : i32
    %mul3A_256 = arith.constant 1000 : i32
    %mul3A_257 = arith.muli %add3A_255, %mul3A_256 : i32
    %dma_start3A_258 = tpu.memref_slice %arg3[%mul3A_257] : memref<16384000xf32, #tpu.memory_space<hbm>> -> memref<64000xf32, #tpu.memory_space<hbm>>
    %dma_start3A_259 = tpu.memref_slice %arg3[%mul3A_257] : memref<16384000xf32, #tpu.memory_space<hbm>> -> memref<64000xf32, #tpu.memory_space<hbm>>
    tpu.enqueue_dma source(%arg6 : memref<64000xf32, #tpu.memory_space<vmem>>) target(%dma_start3A_259 : memref<64000xf32, #tpu.memory_space<hbm>>) target_semaphore(%arg8 : memref<!tpu.dma_semaphore, #tpu.memory_space<semaphore_mem>>)
    %dma_wait3A_260 = tpu.memref_slice %arg3[%mul3A_177] : memref<16384000xf32, #tpu.memory_space<hbm>> -> memref<64000xf32, #tpu.memory_space<hbm>>
    %dma_wait3A_261 = tpu.memref_slice %arg3[%mul3A_177] : memref<16384000xf32, #tpu.memory_space<hbm>> -> memref<64000xf32, #tpu.memory_space<hbm>>
    tpu.wait_dma2 semaphore(%arg7 : memref<!tpu.dma_semaphore, #tpu.memory_space<semaphore_mem>>) src(%arg5 : memref<64000xf32, #tpu.memory_space<vmem>>) dst(%dma_wait3A_261 : memref<64000xf32, #tpu.memory_space<hbm>>)
    %get3A_262 = arith.constant 128 : index
    %get3A_263 = tpu.vector_load %arg4[%get3A_262] {strides = array<i32>} : memref<512xi32, #tpu.memory_space<vmem>>, vector<16xi32>,
    %add3A_264 = arith.constant 0 : i32
    %add3A_265 = vector.broadcast %add3A_264 : i32 to vector<16xi32>
    %add3A_266 = arith.addi %iota3A, %add3A_265 : vector<16xi32>
    %mul3A_267 = arith.constant 1000 : i32
    %mul3A_268 = vector.broadcast %mul3A_267 : i32 to vector<16xi32>
    %mul3A_269 = arith.muli %add3A_266, %mul3A_268 : vector<16xi32>
    %add3A_270 = arith.addi %mul3A_269, %get3A_263 : vector<16xi32>
    tpu.vector_store_idx %arg5[%add3A_270], %broadcast_in_dim3A_3 : memref<64000xf32, #tpu.memory_space<vmem>>[vector<16xi32>], vector<16xf32>,
    %get3A_271 = arith.constant 144 : index
    %get3A_272 = tpu.vector_load %arg4[%get3A_271] {strides = array<i32>} : memref<512xi32, #tpu.memory_space<vmem>>, vector<16xi32>,
    %add3A_273 = arith.constant 16 : i32
    %add3A_274 = vector.broadcast %add3A_273 : i32 to vector<16xi32>
    %add3A_275 = arith.addi %iota3A, %add3A_274 : vector<16xi32>
    %mul3A_276 = arith.constant 1000 : i32
    %mul3A_277 = vector.broadcast %mul3A_276 : i32 to vector<16xi32>
    %mul3A_278 = arith.muli %add3A_275, %mul3A_277 : vector<16xi32>
    %add3A_279 = arith.addi %mul3A_278, %get3A_272 : vector<16xi32>
    tpu.vector_store_idx %arg5[%add3A_279], %broadcast_in_dim3A_3 : memref<64000xf32, #tpu.memory_space<vmem>>[vector<16xi32>], vector<16xf32>,
    %get3A_280 = arith.constant 160 : index
    %get3A_281 = tpu.vector_load %arg4[%get3A_280] {strides = array<i32>} : memref<512xi32, #tpu.memory_space<vmem>>, vector<16xi32>,
    %add3A_282 = arith.constant 32 : i32
    %add3A_283 = vector.broadcast %add3A_282 : i32 to vector<16xi32>
    %add3A_284 = arith.addi %iota3A, %add3A_283 : vector<16xi32>
    %mul3A_285 = arith.constant 1000 : i32
    %mul3A_286 = vector.broadcast %mul3A_285 : i32 to vector<16xi32>
    %mul3A_287 = arith.muli %add3A_284, %mul3A_286 : vector<16xi32>
    %add3A_288 = arith.addi %mul3A_287, %get3A_281 : vector<16xi32>
    tpu.vector_store_idx %arg5[%add3A_288], %broadcast_in_dim3A_3 : memref<64000xf32, #tpu.memory_space<vmem>>[vector<16xi32>], vector<16xf32>,
    %get3A_289 = arith.constant 176 : index
    %get3A_290 = tpu.vector_load %arg4[%get3A_289] {strides = array<i32>} : memref<512xi32, #tpu.memory_space<vmem>>, vector<16xi32>,
    %add3A_291 = arith.constant 48 : i32
    %add3A_292 = vector.broadcast %add3A_291 : i32 to vector<16xi32>
    %add3A_293 = arith.addi %iota3A, %add3A_292 : vector<16xi32>
    %mul3A_294 = arith.constant 1000 : i32
    %mul3A_295 = vector.broadcast %mul3A_294 : i32 to vector<16xi32>
    %mul3A_296 = arith.muli %add3A_293, %mul3A_295 : vector<16xi32>
    %add3A_297 = arith.addi %mul3A_296, %get3A_290 : vector<16xi32>
    tpu.vector_store_idx %arg5[%add3A_297], %broadcast_in_dim3A_3 : memref<64000xf32, #tpu.memory_space<vmem>>[vector<16xi32>], vector<16xf32>,
    %get3A_298 = arith.constant 256 : index
    %get3A_299 = tpu.vector_load %arg4[%get3A_298] {strides = array<i32>} : memref<512xi32, #tpu.memory_space<vmem>>, vector<16xi32>,
    %add3A_300 = arith.constant 0 : i32
    %add3A_301 = vector.broadcast %add3A_300 : i32 to vector<16xi32>
    %add3A_302 = arith.addi %iota3A, %add3A_301 : vector<16xi32>
    %mul3A_303 = arith.constant 1000 : i32
    %mul3A_304 = vector.broadcast %mul3A_303 : i32 to vector<16xi32>
    %mul3A_305 = arith.muli %add3A_302, %mul3A_304 : vector<16xi32>
    %add3A_306 = arith.addi %mul3A_305, %get3A_299 : vector<16xi32>
    tpu.vector_store_idx %arg5[%add3A_306], %broadcast_in_dim3A_5 : memref<64000xf32, #tpu.memory_space<vmem>>[vector<16xi32>], vector<16xf32>,
    %get3A_307 = arith.constant 272 : index
    %get3A_308 = tpu.vector_load %arg4[%get3A_307] {strides = array<i32>} : memref<512xi32, #tpu.memory_space<vmem>>, vector<16xi32>,
    %add3A_309 = arith.constant 16 : i32
    %add3A_310 = vector.broadcast %add3A_309 : i32 to vector<16xi32>
    %add3A_311 = arith.addi %iota3A, %add3A_310 : vector<16xi32>
    %mul3A_312 = arith.constant 1000 : i32
    %mul3A_313 = vector.broadcast %mul3A_312 : i32 to vector<16xi32>
    %mul3A_314 = arith.muli %add3A_311, %mul3A_313 : vector<16xi32>
    %add3A_315 = arith.addi %mul3A_314, %get3A_308 : vector<16xi32>
    tpu.vector_store_idx %arg5[%add3A_315], %broadcast_in_dim3A_5 : memref<64000xf32, #tpu.memory_space<vmem>>[vector<16xi32>], vector<16xf32>,
    %get3A_316 = arith.constant 288 : index
    %get3A_317 = tpu.vector_load %arg4[%get3A_316] {strides = array<i32>} : memref<512xi32, #tpu.memory_space<vmem>>, vector<16xi32>,
    %add3A_318 = arith.constant 32 : i32
    %add3A_319 = vector.broadcast %add3A_318 : i32 to vector<16xi32>
    %add3A_320 = arith.addi %iota3A, %add3A_319 : vector<16xi32>
    %mul3A_321 = arith.constant 1000 : i32
    %mul3A_322 = vector.broadcast %mul3A_321 : i32 to vector<16xi32>
    %mul3A_323 = arith.muli %add3A_320, %mul3A_322 : vector<16xi32>
    %add3A_324 = arith.addi %mul3A_323, %get3A_317 : vector<16xi32>
    tpu.vector_store_idx %arg5[%add3A_324], %broadcast_in_dim3A_5 : memref<64000xf32, #tpu.memory_space<vmem>>[vector<16xi32>], vector<16xf32>,
    %get3A_325 = arith.constant 304 : index
    %get3A_326 = tpu.vector_load %arg4[%get3A_325] {strides = array<i32>} : memref<512xi32, #tpu.memory_space<vmem>>, vector<16xi32>,
    %add3A_327 = arith.constant 48 : i32
    %add3A_328 = vector.broadcast %add3A_327 : i32 to vector<16xi32>
    %add3A_329 = arith.addi %iota3A, %add3A_328 : vector<16xi32>
    %mul3A_330 = arith.constant 1000 : i32
    %mul3A_331 = vector.broadcast %mul3A_330 : i32 to vector<16xi32>
    %mul3A_332 = arith.muli %add3A_329, %mul3A_331 : vector<16xi32>
    %add3A_333 = arith.addi %mul3A_332, %get3A_326 : vector<16xi32>
    tpu.vector_store_idx %arg5[%add3A_333], %broadcast_in_dim3A_5 : memref<64000xf32, #tpu.memory_space<vmem>>[vector<16xi32>], vector<16xf32>,
    %add3A_334 = arith.constant 256 : i32
    %add3A_335 = arith.addi %mul3A_2, %add3A_334 : i32
    %mul3A_336 = arith.constant 1000 : i32
    %mul3A_337 = arith.muli %add3A_335, %mul3A_336 : i32
    %dma_start3A_338 = tpu.memref_slice %arg3[%mul3A_337] : memref<16384000xf32, #tpu.memory_space<hbm>> -> memref<64000xf32, #tpu.memory_space<hbm>>
    %dma_start3A_339 = tpu.memref_slice %arg3[%mul3A_337] : memref<16384000xf32, #tpu.memory_space<hbm>> -> memref<64000xf32, #tpu.memory_space<hbm>>
    tpu.enqueue_dma source(%arg5 : memref<64000xf32, #tpu.memory_space<vmem>>) target(%dma_start3A_339 : memref<64000xf32, #tpu.memory_space<hbm>>) target_semaphore(%arg7 : memref<!tpu.dma_semaphore, #tpu.memory_space<semaphore_mem>>)
    %dma_wait3A_340 = tpu.memref_slice %arg3[%mul3A_257] : memref<16384000xf32, #tpu.memory_space<hbm>> -> memref<64000xf32, #tpu.memory_space<hbm>>
    %dma_wait3A_341 = tpu.memref_slice %arg3[%mul3A_257] : memref<16384000xf32, #tpu.memory_space<hbm>> -> memref<64000xf32, #tpu.memory_space<hbm>>
    tpu.wait_dma2 semaphore(%arg8 : memref<!tpu.dma_semaphore, #tpu.memory_space<semaphore_mem>>) src(%arg6 : memref<64000xf32, #tpu.memory_space<vmem>>) dst(%dma_wait3A_341 : memref<64000xf32, #tpu.memory_space<hbm>>)
    %get3A_342 = arith.constant 192 : index
    %get3A_343 = tpu.vector_load %arg4[%get3A_342] {strides = array<i32>} : memref<512xi32, #tpu.memory_space<vmem>>, vector<16xi32>,
    %add3A_344 = arith.constant 0 : i32
    %add3A_345 = vector.broadcast %add3A_344 : i32 to vector<16xi32>
    %add3A_346 = arith.addi %iota3A, %add3A_345 : vector<16xi32>
    %mul3A_347 = arith.constant 1000 : i32
    %mul3A_348 = vector.broadcast %mul3A_347 : i32 to vector<16xi32>
    %mul3A_349 = arith.muli %add3A_346, %mul3A_348 : vector<16xi32>
    %add3A_350 = arith.addi %mul3A_349, %get3A_343 : vector<16xi32>
    tpu.vector_store_idx %arg6[%add3A_350], %broadcast_in_dim3A_3 : memref<64000xf32, #tpu.memory_space<vmem>>[vector<16xi32>], vector<16xf32>,
    %get3A_351 = arith.constant 208 : index
    %get3A_352 = tpu.vector_load %arg4[%get3A_351] {strides = array<i32>} : memref<512xi32, #tpu.memory_space<vmem>>, vector<16xi32>,
    %add3A_353 = arith.constant 16 : i32
    %add3A_354 = vector.broadcast %add3A_353 : i32 to vector<16xi32>
    %add3A_355 = arith.addi %iota3A, %add3A_354 : vector<16xi32>
    %mul3A_356 = arith.constant 1000 : i32
    %mul3A_357 = vector.broadcast %mul3A_356 : i32 to vector<16xi32>
    %mul3A_358 = arith.muli %add3A_355, %mul3A_357 : vector<16xi32>
    %add3A_359 = arith.addi %mul3A_358, %get3A_352 : vector<16xi32>
    tpu.vector_store_idx %arg6[%add3A_359], %broadcast_in_dim3A_3 : memref<64000xf32, #tpu.memory_space<vmem>>[vector<16xi32>], vector<16xf32>,
    %get3A_360 = arith.constant 224 : index
    %get3A_361 = tpu.vector_load %arg4[%get3A_360] {strides = array<i32>} : memref<512xi32, #tpu.memory_space<vmem>>, vector<16xi32>,
    %add3A_362 = arith.constant 32 : i32
    %add3A_363 = vector.broadcast %add3A_362 : i32 to vector<16xi32>
    %add3A_364 = arith.addi %iota3A, %add3A_363 : vector<16xi32>
    %mul3A_365 = arith.constant 1000 : i32
    %mul3A_366 = vector.broadcast %mul3A_365 : i32 to vector<16xi32>
    %mul3A_367 = arith.muli %add3A_364, %mul3A_366 : vector<16xi32>
    %add3A_368 = arith.addi %mul3A_367, %get3A_361 : vector<16xi32>
    tpu.vector_store_idx %arg6[%add3A_368], %broadcast_in_dim3A_3 : memref<64000xf32, #tpu.memory_space<vmem>>[vector<16xi32>], vector<16xf32>,
    %get3A_369 = arith.constant 240 : index
    %get3A_370 = tpu.vector_load %arg4[%get3A_369] {strides = array<i32>} : memref<512xi32, #tpu.memory_space<vmem>>, vector<16xi32>,
    %add3A_371 = arith.constant 48 : i32
    %add3A_372 = vector.broadcast %add3A_371 : i32 to vector<16xi32>
    %add3A_373 = arith.addi %iota3A, %add3A_372 : vector<16xi32>
    %mul3A_374 = arith.constant 1000 : i32
    %mul3A_375 = vector.broadcast %mul3A_374 : i32 to vector<16xi32>
    %mul3A_376 = arith.muli %add3A_373, %mul3A_375 : vector<16xi32>
    %add3A_377 = arith.addi %mul3A_376, %get3A_370 : vector<16xi32>
    tpu.vector_store_idx %arg6[%add3A_377], %broadcast_in_dim3A_3 : memref<64000xf32, #tpu.memory_space<vmem>>[vector<16xi32>], vector<16xf32>,
    %get3A_378 = arith.constant 320 : index
    %get3A_379 = tpu.vector_load %arg4[%get3A_378] {strides = array<i32>} : memref<512xi32, #tpu.memory_space<vmem>>, vector<16xi32>,
    %add3A_380 = arith.constant 0 : i32
    %add3A_381 = vector.broadcast %add3A_380 : i32 to vector<16xi32>
    %add3A_382 = arith.addi %iota3A, %add3A_381 : vector<16xi32>
    %mul3A_383 = arith.constant 1000 : i32
    %mul3A_384 = vector.broadcast %mul3A_383 : i32 to vector<16xi32>
    %mul3A_385 = arith.muli %add3A_382, %mul3A_384 : vector<16xi32>
    %add3A_386 = arith.addi %mul3A_385, %get3A_379 : vector<16xi32>
    tpu.vector_store_idx %arg6[%add3A_386], %broadcast_in_dim3A_5 : memref<64000xf32, #tpu.memory_space<vmem>>[vector<16xi32>], vector<16xf32>,
    %get3A_387 = arith.constant 336 : index
    %get3A_388 = tpu.vector_load %arg4[%get3A_387] {strides = array<i32>} : memref<512xi32, #tpu.memory_space<vmem>>, vector<16xi32>,
    %add3A_389 = arith.constant 16 : i32
    %add3A_390 = vector.broadcast %add3A_389 : i32 to vector<16xi32>
    %add3A_391 = arith.addi %iota3A, %add3A_390 : vector<16xi32>
    %mul3A_392 = arith.constant 1000 : i32
    %mul3A_393 = vector.broadcast %mul3A_392 : i32 to vector<16xi32>
    %mul3A_394 = arith.muli %add3A_391, %mul3A_393 : vector<16xi32>
    %add3A_395 = arith.addi %mul3A_394, %get3A_388 : vector<16xi32>
    tpu.vector_store_idx %arg6[%add3A_395], %broadcast_in_dim3A_5 : memref<64000xf32, #tpu.memory_space<vmem>>[vector<16xi32>], vector<16xf32>,
    %get3A_396 = arith.constant 352 : index
    %get3A_397 = tpu.vector_load %arg4[%get3A_396] {strides = array<i32>} : memref<512xi32, #tpu.memory_space<vmem>>, vector<16xi32>,
    %add3A_398 = arith.constant 32 : i32
    %add3A_399 = vector.broadcast %add3A_398 : i32 to vector<16xi32>
    %add3A_400 = arith.addi %iota3A, %add3A_399 : vector<16xi32>
    %mul3A_401 = arith.constant 1000 : i32
    %mul3A_402 = vector.broadcast %mul3A_401 : i32 to vector<16xi32>
    %mul3A_403 = arith.muli %add3A_400, %mul3A_402 : vector<16xi32>
    %add3A_404 = arith.addi %mul3A_403, %get3A_397 : vector<16xi32>
    tpu.vector_store_idx %arg6[%add3A_404], %broadcast_in_dim3A_5 : memref<64000xf32, #tpu.memory_space<vmem>>[vector<16xi32>], vector<16xf32>,
    %get3A_405 = arith.constant 368 : index
    %get3A_406 = tpu.vector_load %arg4[%get3A_405] {strides = array<i32>} : memref<512xi32, #tpu.memory_space<vmem>>, vector<16xi32>,
    %add3A_407 = arith.constant 48 : i32
    %add3A_408 = vector.broadcast %add3A_407 : i32 to vector<16xi32>
    %add3A_409 = arith.addi %iota3A, %add3A_408 : vector<16xi32>
    %mul3A_410 = arith.constant 1000 : i32
    %mul3A_411 = vector.broadcast %mul3A_410 : i32 to vector<16xi32>
    %mul3A_412 = arith.muli %add3A_409, %mul3A_411 : vector<16xi32>
    %add3A_413 = arith.addi %mul3A_412, %get3A_406 : vector<16xi32>
    tpu.vector_store_idx %arg6[%add3A_413], %broadcast_in_dim3A_5 : memref<64000xf32, #tpu.memory_space<vmem>>[vector<16xi32>], vector<16xf32>,
    %add3A_414 = arith.constant 320 : i32
    %add3A_415 = arith.addi %mul3A_2, %add3A_414 : i32
    %mul3A_416 = arith.constant 1000 : i32
    %mul3A_417 = arith.muli %add3A_415, %mul3A_416 : i32
    %dma_start3A_418 = tpu.memref_slice %arg3[%mul3A_417] : memref<16384000xf32, #tpu.memory_space<hbm>> -> memref<64000xf32, #tpu.memory_space<hbm>>
    %dma_start3A_419 = tpu.memref_slice %arg3[%mul3A_417] : memref<16384000xf32, #tpu.memory_space<hbm>> -> memref<64000xf32, #tpu.memory_space<hbm>>
    tpu.enqueue_dma source(%arg6 : memref<64000xf32, #tpu.memory_space<vmem>>) target(%dma_start3A_419 : memref<64000xf32, #tpu.memory_space<hbm>>) target_semaphore(%arg8 : memref<!tpu.dma_semaphore, #tpu.memory_space<semaphore_mem>>)
    %dma_wait3A_420 = tpu.memref_slice %arg3[%mul3A_337] : memref<16384000xf32, #tpu.memory_space<hbm>> -> memref<64000xf32, #tpu.memory_space<hbm>>
    %dma_wait3A_421 = tpu.memref_slice %arg3[%mul3A_337] : memref<16384000xf32, #tpu.memory_space<hbm>> -> memref<64000xf32, #tpu.memory_space<hbm>>
    tpu.wait_dma2 semaphore(%arg7 : memref<!tpu.dma_semaphore, #tpu.memory_space<semaphore_mem>>) src(%arg5 : memref<64000xf32, #tpu.memory_space<vmem>>) dst(%dma_wait3A_421 : memref<64000xf32, #tpu.memory_space<hbm>>)
    %get3A_422 = arith.constant 256 : index
    %get3A_423 = tpu.vector_load %arg4[%get3A_422] {strides = array<i32>} : memref<512xi32, #tpu.memory_space<vmem>>, vector<16xi32>,
    %add3A_424 = arith.constant 0 : i32
    %add3A_425 = vector.broadcast %add3A_424 : i32 to vector<16xi32>
    %add3A_426 = arith.addi %iota3A, %add3A_425 : vector<16xi32>
    %mul3A_427 = arith.constant 1000 : i32
    %mul3A_428 = vector.broadcast %mul3A_427 : i32 to vector<16xi32>
    %mul3A_429 = arith.muli %add3A_426, %mul3A_428 : vector<16xi32>
    %add3A_430 = arith.addi %mul3A_429, %get3A_423 : vector<16xi32>
    tpu.vector_store_idx %arg5[%add3A_430], %broadcast_in_dim3A_3 : memref<64000xf32, #tpu.memory_space<vmem>>[vector<16xi32>], vector<16xf32>,
    %get3A_431 = arith.constant 272 : index
    %get3A_432 = tpu.vector_load %arg4[%get3A_431] {strides = array<i32>} : memref<512xi32, #tpu.memory_space<vmem>>, vector<16xi32>,
    %add3A_433 = arith.constant 16 : i32
    %add3A_434 = vector.broadcast %add3A_433 : i32 to vector<16xi32>
    %add3A_435 = arith.addi %iota3A, %add3A_434 : vector<16xi32>
    %mul3A_436 = arith.constant 1000 : i32
    %mul3A_437 = vector.broadcast %mul3A_436 : i32 to vector<16xi32>
    %mul3A_438 = arith.muli %add3A_435, %mul3A_437 : vector<16xi32>
    %add3A_439 = arith.addi %mul3A_438, %get3A_432 : vector<16xi32>
    tpu.vector_store_idx %arg5[%add3A_439], %broadcast_in_dim3A_3 : memref<64000xf32, #tpu.memory_space<vmem>>[vector<16xi32>], vector<16xf32>,
    %get3A_440 = arith.constant 288 : index
    %get3A_441 = tpu.vector_load %arg4[%get3A_440] {strides = array<i32>} : memref<512xi32, #tpu.memory_space<vmem>>, vector<16xi32>,
    %add3A_442 = arith.constant 32 : i32
    %add3A_443 = vector.broadcast %add3A_442 : i32 to vector<16xi32>
    %add3A_444 = arith.addi %iota3A, %add3A_443 : vector<16xi32>
    %mul3A_445 = arith.constant 1000 : i32
    %mul3A_446 = vector.broadcast %mul3A_445 : i32 to vector<16xi32>
    %mul3A_447 = arith.muli %add3A_444, %mul3A_446 : vector<16xi32>
    %add3A_448 = arith.addi %mul3A_447, %get3A_441 : vector<16xi32>
    tpu.vector_store_idx %arg5[%add3A_448], %broadcast_in_dim3A_3 : memref<64000xf32, #tpu.memory_space<vmem>>[vector<16xi32>], vector<16xf32>,
    %get3A_449 = arith.constant 304 : index
    %get3A_450 = tpu.vector_load %arg4[%get3A_449] {strides = array<i32>} : memref<512xi32, #tpu.memory_space<vmem>>, vector<16xi32>,
    %add3A_451 = arith.constant 48 : i32
    %add3A_452 = vector.broadcast %add3A_451 : i32 to vector<16xi32>
    %add3A_453 = arith.addi %iota3A, %add3A_452 : vector<16xi32>
    %mul3A_454 = arith.constant 1000 : i32
    %mul3A_455 = vector.broadcast %mul3A_454 : i32 to vector<16xi32>
    %mul3A_456 = arith.muli %add3A_453, %mul3A_455 : vector<16xi32>
    %add3A_457 = arith.addi %mul3A_456, %get3A_450 : vector<16xi32>
    tpu.vector_store_idx %arg5[%add3A_457], %broadcast_in_dim3A_3 : memref<64000xf32, #tpu.memory_space<vmem>>[vector<16xi32>], vector<16xf32>,
    %get3A_458 = arith.constant 384 : index
    %get3A_459 = tpu.vector_load %arg4[%get3A_458] {strides = array<i32>} : memref<512xi32, #tpu.memory_space<vmem>>, vector<16xi32>,
    %add3A_460 = arith.constant 0 : i32
    %add3A_461 = vector.broadcast %add3A_460 : i32 to vector<16xi32>
    %add3A_462 = arith.addi %iota3A, %add3A_461 : vector<16xi32>
    %mul3A_463 = arith.constant 1000 : i32
    %mul3A_464 = vector.broadcast %mul3A_463 : i32 to vector<16xi32>
    %mul3A_465 = arith.muli %add3A_462, %mul3A_464 : vector<16xi32>
    %add3A_466 = arith.addi %mul3A_465, %get3A_459 : vector<16xi32>
    tpu.vector_store_idx %arg5[%add3A_466], %broadcast_in_dim3A_5 : memref<64000xf32, #tpu.memory_space<vmem>>[vector<16xi32>], vector<16xf32>,
    %get3A_467 = arith.constant 400 : index
    %get3A_468 = tpu.vector_load %arg4[%get3A_467] {strides = array<i32>} : memref<512xi32, #tpu.memory_space<vmem>>, vector<16xi32>,
    %add3A_469 = arith.constant 16 : i32
    %add3A_470 = vector.broadcast %add3A_469 : i32 to vector<16xi32>
    %add3A_471 = arith.addi %iota3A, %add3A_470 : vector<16xi32>
    %mul3A_472 = arith.constant 1000 : i32
    %mul3A_473 = vector.broadcast %mul3A_472 : i32 to vector<16xi32>
    %mul3A_474 = arith.muli %add3A_471, %mul3A_473 : vector<16xi32>
    %add3A_475 = arith.addi %mul3A_474, %get3A_468 : vector<16xi32>
    tpu.vector_store_idx %arg5[%add3A_475], %broadcast_in_dim3A_5 : memref<64000xf32, #tpu.memory_space<vmem>>[vector<16xi32>], vector<16xf32>,
    %get3A_476 = arith.constant 416 : index
    %get3A_477 = tpu.vector_load %arg4[%get3A_476] {strides = array<i32>} : memref<512xi32, #tpu.memory_space<vmem>>, vector<16xi32>,
    %add3A_478 = arith.constant 32 : i32
    %add3A_479 = vector.broadcast %add3A_478 : i32 to vector<16xi32>
    %add3A_480 = arith.addi %iota3A, %add3A_479 : vector<16xi32>
    %mul3A_481 = arith.constant 1000 : i32
    %mul3A_482 = vector.broadcast %mul3A_481 : i32 to vector<16xi32>
    %mul3A_483 = arith.muli %add3A_480, %mul3A_482 : vector<16xi32>
    %add3A_484 = arith.addi %mul3A_483, %get3A_477 : vector<16xi32>
    tpu.vector_store_idx %arg5[%add3A_484], %broadcast_in_dim3A_5 : memref<64000xf32, #tpu.memory_space<vmem>>[vector<16xi32>], vector<16xf32>,
    %get3A_485 = arith.constant 432 : index
    %get3A_486 = tpu.vector_load %arg4[%get3A_485] {strides = array<i32>} : memref<512xi32, #tpu.memory_space<vmem>>, vector<16xi32>,
    %add3A_487 = arith.constant 48 : i32
    %add3A_488 = vector.broadcast %add3A_487 : i32 to vector<16xi32>
    %add3A_489 = arith.addi %iota3A, %add3A_488 : vector<16xi32>
    %mul3A_490 = arith.constant 1000 : i32
    %mul3A_491 = vector.broadcast %mul3A_490 : i32 to vector<16xi32>
    %mul3A_492 = arith.muli %add3A_489, %mul3A_491 : vector<16xi32>
    %add3A_493 = arith.addi %mul3A_492, %get3A_486 : vector<16xi32>
    tpu.vector_store_idx %arg5[%add3A_493], %broadcast_in_dim3A_5 : memref<64000xf32, #tpu.memory_space<vmem>>[vector<16xi32>], vector<16xf32>,
    %add3A_494 = arith.constant 384 : i32
    %add3A_495 = arith.addi %mul3A_2, %add3A_494 : i32
    %mul3A_496 = arith.constant 1000 : i32
    %mul3A_497 = arith.muli %add3A_495, %mul3A_496 : i32
    %dma_start3A_498 = tpu.memref_slice %arg3[%mul3A_497] : memref<16384000xf32, #tpu.memory_space<hbm>> -> memref<64000xf32, #tpu.memory_space<hbm>>
    %dma_start3A_499 = tpu.memref_slice %arg3[%mul3A_497] : memref<16384000xf32, #tpu.memory_space<hbm>> -> memref<64000xf32, #tpu.memory_space<hbm>>
    tpu.enqueue_dma source(%arg5 : memref<64000xf32, #tpu.memory_space<vmem>>) target(%dma_start3A_499 : memref<64000xf32, #tpu.memory_space<hbm>>) target_semaphore(%arg7 : memref<!tpu.dma_semaphore, #tpu.memory_space<semaphore_mem>>)
    %dma_wait3A_500 = tpu.memref_slice %arg3[%mul3A_417] : memref<16384000xf32, #tpu.memory_space<hbm>> -> memref<64000xf32, #tpu.memory_space<hbm>>
    %dma_wait3A_501 = tpu.memref_slice %arg3[%mul3A_417] : memref<16384000xf32, #tpu.memory_space<hbm>> -> memref<64000xf32, #tpu.memory_space<hbm>>
    tpu.wait_dma2 semaphore(%arg8 : memref<!tpu.dma_semaphore, #tpu.memory_space<semaphore_mem>>) src(%arg6 : memref<64000xf32, #tpu.memory_space<vmem>>) dst(%dma_wait3A_501 : memref<64000xf32, #tpu.memory_space<hbm>>)
    %get3A_502 = arith.constant 320 : index
    %get3A_503 = tpu.vector_load %arg4[%get3A_502] {strides = array<i32>} : memref<512xi32, #tpu.memory_space<vmem>>, vector<16xi32>,
    %add3A_504 = arith.constant 0 : i32
    %add3A_505 = vector.broadcast %add3A_504 : i32 to vector<16xi32>
    %add3A_506 = arith.addi %iota3A, %add3A_505 : vector<16xi32>
    %mul3A_507 = arith.constant 1000 : i32
    %mul3A_508 = vector.broadcast %mul3A_507 : i32 to vector<16xi32>
    %mul3A_509 = arith.muli %add3A_506, %mul3A_508 : vector<16xi32>
    %add3A_510 = arith.addi %mul3A_509, %get3A_503 : vector<16xi32>
    tpu.vector_store_idx %arg6[%add3A_510], %broadcast_in_dim3A_3 : memref<64000xf32, #tpu.memory_space<vmem>>[vector<16xi32>], vector<16xf32>,
    %get3A_511 = arith.constant 336 : index
    %get3A_512 = tpu.vector_load %arg4[%get3A_511] {strides = array<i32>} : memref<512xi32, #tpu.memory_space<vmem>>, vector<16xi32>,
    %add3A_513 = arith.constant 16 : i32
    %add3A_514 = vector.broadcast %add3A_513 : i32 to vector<16xi32>
    %add3A_515 = arith.addi %iota3A, %add3A_514 : vector<16xi32>
    %mul3A_516 = arith.constant 1000 : i32
    %mul3A_517 = vector.broadcast %mul3A_516 : i32 to vector<16xi32>
    %mul3A_518 = arith.muli %add3A_515, %mul3A_517 : vector<16xi32>
    %add3A_519 = arith.addi %mul3A_518, %get3A_512 : vector<16xi32>
    tpu.vector_store_idx %arg6[%add3A_519], %broadcast_in_dim3A_3 : memref<64000xf32, #tpu.memory_space<vmem>>[vector<16xi32>], vector<16xf32>,
    %get3A_520 = arith.constant 352 : index
    %get3A_521 = tpu.vector_load %arg4[%get3A_520] {strides = array<i32>} : memref<512xi32, #tpu.memory_space<vmem>>, vector<16xi32>,
    %add3A_522 = arith.constant 32 : i32
    %add3A_523 = vector.broadcast %add3A_522 : i32 to vector<16xi32>
    %add3A_524 = arith.addi %iota3A, %add3A_523 : vector<16xi32>
    %mul3A_525 = arith.constant 1000 : i32
    %mul3A_526 = vector.broadcast %mul3A_525 : i32 to vector<16xi32>
    %mul3A_527 = arith.muli %add3A_524, %mul3A_526 : vector<16xi32>
    %add3A_528 = arith.addi %mul3A_527, %get3A_521 : vector<16xi32>
    tpu.vector_store_idx %arg6[%add3A_528], %broadcast_in_dim3A_3 : memref<64000xf32, #tpu.memory_space<vmem>>[vector<16xi32>], vector<16xf32>,
    %get3A_529 = arith.constant 368 : index
    %get3A_530 = tpu.vector_load %arg4[%get3A_529] {strides = array<i32>} : memref<512xi32, #tpu.memory_space<vmem>>, vector<16xi32>,
    %add3A_531 = arith.constant 48 : i32
    %add3A_532 = vector.broadcast %add3A_531 : i32 to vector<16xi32>
    %add3A_533 = arith.addi %iota3A, %add3A_532 : vector<16xi32>
    %mul3A_534 = arith.constant 1000 : i32
    %mul3A_535 = vector.broadcast %mul3A_534 : i32 to vector<16xi32>
    %mul3A_536 = arith.muli %add3A_533, %mul3A_535 : vector<16xi32>
    %add3A_537 = arith.addi %mul3A_536, %get3A_530 : vector<16xi32>
    tpu.vector_store_idx %arg6[%add3A_537], %broadcast_in_dim3A_3 : memref<64000xf32, #tpu.memory_space<vmem>>[vector<16xi32>], vector<16xf32>,
    %get3A_538 = arith.constant 448 : index
    %get3A_539 = tpu.vector_load %arg4[%get3A_538] {strides = array<i32>} : memref<512xi32, #tpu.memory_space<vmem>>, vector<16xi32>,
    %add3A_540 = arith.constant 0 : i32
    %add3A_541 = vector.broadcast %add3A_540 : i32 to vector<16xi32>
    %add3A_542 = arith.addi %iota3A, %add3A_541 : vector<16xi32>
    %mul3A_543 = arith.constant 1000 : i32
    %mul3A_544 = vector.broadcast %mul3A_543 : i32 to vector<16xi32>
    %mul3A_545 = arith.muli %add3A_542, %mul3A_544 : vector<16xi32>
    %add3A_546 = arith.addi %mul3A_545, %get3A_539 : vector<16xi32>
    tpu.vector_store_idx %arg6[%add3A_546], %broadcast_in_dim3A_5 : memref<64000xf32, #tpu.memory_space<vmem>>[vector<16xi32>], vector<16xf32>,
    %get3A_547 = arith.constant 464 : index
    %get3A_548 = tpu.vector_load %arg4[%get3A_547] {strides = array<i32>} : memref<512xi32, #tpu.memory_space<vmem>>, vector<16xi32>,
    %add3A_549 = arith.constant 16 : i32
    %add3A_550 = vector.broadcast %add3A_549 : i32 to vector<16xi32>
    %add3A_551 = arith.addi %iota3A, %add3A_550 : vector<16xi32>
    %mul3A_552 = arith.constant 1000 : i32
    %mul3A_553 = vector.broadcast %mul3A_552 : i32 to vector<16xi32>
    %mul3A_554 = arith.muli %add3A_551, %mul3A_553 : vector<16xi32>
    %add3A_555 = arith.addi %mul3A_554, %get3A_548 : vector<16xi32>
    tpu.vector_store_idx %arg6[%add3A_555], %broadcast_in_dim3A_5 : memref<64000xf32, #tpu.memory_space<vmem>>[vector<16xi32>], vector<16xf32>,
    %get3A_556 = arith.constant 480 : index
    %get3A_557 = tpu.vector_load %arg4[%get3A_556] {strides = array<i32>} : memref<512xi32, #tpu.memory_space<vmem>>, vector<16xi32>,
    %add3A_558 = arith.constant 32 : i32
    %add3A_559 = vector.broadcast %add3A_558 : i32 to vector<16xi32>
    %add3A_560 = arith.addi %iota3A, %add3A_559 : vector<16xi32>
    %mul3A_561 = arith.constant 1000 : i32
    %mul3A_562 = vector.broadcast %mul3A_561 : i32 to vector<16xi32>
    %mul3A_563 = arith.muli %add3A_560, %mul3A_562 : vector<16xi32>
    %add3A_564 = arith.addi %mul3A_563, %get3A_557 : vector<16xi32>
    tpu.vector_store_idx %arg6[%add3A_564], %broadcast_in_dim3A_5 : memref<64000xf32, #tpu.memory_space<vmem>>[vector<16xi32>], vector<16xf32>,
    %get3A_565 = arith.constant 496 : index
    %get3A_566 = tpu.vector_load %arg4[%get3A_565] {strides = array<i32>} : memref<512xi32, #tpu.memory_space<vmem>>, vector<16xi32>,
    %add3A_567 = arith.constant 48 : i32
    %add3A_568 = vector.broadcast %add3A_567 : i32 to vector<16xi32>
    %add3A_569 = arith.addi %iota3A, %add3A_568 : vector<16xi32>
    %mul3A_570 = arith.constant 1000 : i32
    %mul3A_571 = vector.broadcast %mul3A_570 : i32 to vector<16xi32>
    %mul3A_572 = arith.muli %add3A_569, %mul3A_571 : vector<16xi32>
    %add3A_573 = arith.addi %mul3A_572, %get3A_566 : vector<16xi32>
    tpu.vector_store_idx %arg6[%add3A_573], %broadcast_in_dim3A_5 : memref<64000xf32, #tpu.memory_space<vmem>>[vector<16xi32>], vector<16xf32>,
    %add3A_574 = arith.constant 448 : i32
    %add3A_575 = arith.addi %mul3A_2, %add3A_574 : i32
    %mul3A_576 = arith.constant 1000 : i32
    %mul3A_577 = arith.muli %add3A_575, %mul3A_576 : i32
    %dma_start3A_578 = tpu.memref_slice %arg3[%mul3A_577] : memref<16384000xf32, #tpu.memory_space<hbm>> -> memref<64000xf32, #tpu.memory_space<hbm>>
    %dma_start3A_579 = tpu.memref_slice %arg3[%mul3A_577] : memref<16384000xf32, #tpu.memory_space<hbm>> -> memref<64000xf32, #tpu.memory_space<hbm>>
    tpu.enqueue_dma source(%arg6 : memref<64000xf32, #tpu.memory_space<vmem>>) target(%dma_start3A_579 : memref<64000xf32, #tpu.memory_space<hbm>>) target_semaphore(%arg8 : memref<!tpu.dma_semaphore, #tpu.memory_space<semaphore_mem>>)
    %dma_wait3A_580 = tpu.memref_slice %arg3[%mul3A_497] : memref<16384000xf32, #tpu.memory_space<hbm>> -> memref<64000xf32, #tpu.memory_space<hbm>>
    %dma_wait3A_581 = tpu.memref_slice %arg3[%mul3A_497] : memref<16384000xf32, #tpu.memory_space<hbm>> -> memref<64000xf32, #tpu.memory_space<hbm>>
    tpu.wait_dma2 semaphore(%arg7 : memref<!tpu.dma_semaphore, #tpu.memory_space<semaphore_mem>>) src(%arg5 : memref<64000xf32, #tpu.memory_space<vmem>>) dst(%dma_wait3A_581 : memref<64000xf32, #tpu.memory_space<hbm>>)
    %dma_wait3A_582 = tpu.memref_slice %arg3[%mul3A_577] : memref<16384000xf32, #tpu.memory_space<hbm>> -> memref<64000xf32, #tpu.memory_space<hbm>>
    %dma_wait3A_583 = tpu.memref_slice %arg3[%mul3A_577] : memref<16384000xf32, #tpu.memory_space<hbm>> -> memref<64000xf32, #tpu.memory_space<hbm>>
    tpu.wait_dma2 semaphore(%arg8 : memref<!tpu.dma_semaphore, #tpu.memory_space<semaphore_mem>>) src(%arg6 : memref<64000xf32, #tpu.memory_space<vmem>>) dst(%dma_wait3A_583 : memref<64000xf32, #tpu.memory_space<hbm>>)
    return
  }
}

</mosaic_0001>

<sc_bundles>
// kernel: kernel.3.cloned.1.call-start
scs
__scs_entry_jumppad:
0x0: {  	(pc) =	sbr.rel $0x88, $3  }
0x1: {  	(tag) =	ssettag $0x0;
	lr =	simm.s32 $0x1  }
0x2: {  	[smem:$0x3FA0] =	sst lr;
	_ =	strace $0xD0000000  }
0x3: {  	_ = 	snop  }
0x4: {  	_ = 	snop  }
0x5: {  	_ = 	snop  }
0x6: {  	_ = 	snop  }
0x7: {  	_ = 	snop  }
__scs_overlays_trampoline_lowered:
0x8: {  	[smem:$0x3FAF] =	sst s0  }
0x9: {  	[smem:$0x3FB0] =	sst s1  }
0xa: {  	[smem:$0x3FB1] =	sst s2  }
0xb: {  	[smem:$0x3FB2] =	sst s3  }
0xc: {  	[smem:$0x3FB3] =	sst s4  }
0xd: {  	[smem:$0x3FB4] =	sst s5  }
0xe: {  	[smem:$0x3FB5] =	sst s6  }
0xf: {  	[smem:$0x3FB6] =	sst s7  }
0x10: {  	[smem:$0x3FB7] =	sst s8  }
0x11: {  	[smem:$0x3FB8] =	sst s9;
	s0 =	simm.s32 @!p0 $0x0  }
0x12: {  	s1 =	sld [smem:$0x3F9E];
	s0 =	simm.s32 @p0 $0x1  }
0x13: {  	[smem:$0x3FB9] =	sst s0;
	s0 =	simm.s32 @!p1 $0x0  }
0x14: {  	s2 =	sld [smem:$0x3F9D];
	s0 =	simm.s32 @p1 $0x1  }
0x15: {  	[smem:$0x3FBA] =	sst s0;
	s0 =	simm.s32 @!p2 $0x0  }
0x16: {  	s3 =	sld [smem:$0x3FDB];
	s0 =	simm.s32 @p2 $0x1  }
0x17: {  	s4 =	simm.s32 $0x1BF5;
	[smem:$0x3FBC] =	sst s0  }
0x18: {  	s0 =	sld [smem:$0x3F9F];
	_ =	swait.ge [sflag:s4], $0x0  }
0x19: {  	s7 =	sld [smem:$0x3FA0]  }
0x1a: {  	s8 =	sadd.s32 $0xFFFFE003, lr  }
0x1b: {  	s9 =	sadd.s32 $0xFFFFFEF7, lr;
	s5 =	simm.s32 $0xFFFFFFFF;
	p2 =	slt.u32 s8, $0xFFFFF086  }
0x1c: {  	p1 =	slt.u32 s9, $0xF7A;
	s5 =	simm.s32 @!p2 $0x0  }
0x1d: {  	s5 =	simm.s32 @p1 $0x1;
	p0 =	seq.s32 s7, s2  }
0x1e: {  	s7 =	smul.u32 @!p0 $0xF7A, s2;
	p2 =	seq.s32 @!p0 s5, $0x0  }
0x1f: {  	s9 =	smul.u32 $0xF7A, s1;
	s8 =	simm.s32 @!p0 $0x1BF5;
	p2 =	por !p2, p0  }
0x20: {  	[sflag:s8] =	ssyncset.s32 @!p0 $0xFFFFF086;
	s6 =	sadd.s32 @!p0 s3, s7;
	s7 =	simm.s32 @!p0 $0x108  }
0x21: {  	s3 =	sadd.s32 s3, s9;
	s6 =	sadd.s32 @!p0 $0x88, s6;
	s7 =	simm.s32 @p2 $0x1082  }
0x22: {  	[simem:s7], [sflag:s8] =	dma.local @!p0 [hbm:s6], $0xF7A  }
0x23: {  	s9 =	sor.u32 $0xD0000000, s2;
	s6 =	simm.s32 $0x108;
	_ =	swait.ge @!p0 [sflag:s8], $0x0  }
0x24: {  	s3 =	sadd.s32 $0x88, s3;
	s6 =	simm.s32 @!p1 $0x1082;
	[sflag:s4] =	ssyncset.s32 $0xFFFFF086  }
0x25: {  	[simem:s6], [sflag:s4] =	dma.local [hbm:s3], $0xF7A  }
0x26: {  	[smem:$0x3FA0] =	sst s1;
	(tag) =	ssettag s2;
	_ =	strace s9  }
0x27: {  	s1 =	sld [smem:$0x3FB0]  }
0x28: {  	s2 =	sld [smem:$0x3FB1]  }
0x29: {  	s4 =	sld [smem:$0x3FB3]  }
0x2a: {  	p0 =	seq.s32 s5, $0x0;
	s5 =	sld [smem:$0x3FB4]  }
0x2b: {  	s6 =	sld [smem:$0x3FB5]  }
0x2c: {  	s7 =	sld [smem:$0x3FB6]  }
0x2d: {  	s3 =	simm.s32 $0x108;
	s8 =	sld [smem:$0x3FB7]  }
0x2e: {  	s3 =	simm.s32 @!p0 $0x1082;
	s9 =	sld [smem:$0x3FB8]  }
0x2f: {  	lr =	sadd.s32 s0, s3;
	s0 =	sld [smem:$0x3FAF]  }
0x30: {  	s3 =	sld [smem:$0x3FB2]  }
0x31: {  	[smem:$0x3FBB] =	sst s10  }
0x32: {  	s10 =	sld [smem:$0x3FB9];
	_ =	sdelay $0x3  }
0x33: {  	p0 =	seq.s32 s10, $0x1;
	s10 =	sld [smem:$0x3FBB];
	_ =	sdelay $0x3  }
0x34: {  	[smem:$0x3FBB] =	sst s10  }
0x35: {  	s10 =	sld [smem:$0x3FBA];
	_ =	sdelay $0x3  }
0x36: {  	p1 =	seq.s32 s10, $0x1;
	s10 =	sld [smem:$0x3FBB];
	_ =	sdelay $0x3  }
0x37: {  	[smem:$0x3FBB] =	sst s10  }
0x38: {  	s10 =	sld [smem:$0x3FBC]  }
0x39: {  	_ = 	snop;
	(pc) =	sbr.ind lr, $3  }
0x3a: {  	_ = 	snop  }
0x3b: {  	_ = 	snop  }
0x3c: {  	p2 =	seq.s32 s10, $0x1;
	s10 =	sld [smem:$0x3FBB]  }
0x3d: {  	_ =	shalt  }
0x3e: {  	_ =	shalt  }
0x3f: {  	_ =	shalt  }
0x40: {  	_ =	shalt  }
0x41: {  	_ =	shalt  }
0x42: {  	_ =	shalt  }
0x43: {  	_ =	shalt  }
0x44: {  	_ =	shalt  }
0x45: {  	_ =	shalt  }
0x46: {  	_ =	shalt  }
0x47: {  	_ =	shalt  }
0x48: {  	_ =	shalt  }
0x49: {  	_ =	shalt  }
0x4a: {  	_ =	shalt  }
0x4b: {  	_ =	shalt  }
0x4c: {  	_ =	shalt  }
0x4d: {  	_ =	shalt  }
0x4e: {  	_ =	shalt  }
0x4f: {  	_ =	shalt  }
0x50: {  	_ =	shalt  }
0x51: {  	_ =	shalt  }
0x52: {  	_ =	shalt  }
0x53: {  	_ =	shalt  }
0x54: {  	_ =	shalt  }
0x55: {  	_ =	shalt  }
0x56: {  	_ =	shalt  }
0x57: {  	_ =	shalt  }
0x58: {  	_ =	shalt  }
0x59: {  	_ =	shalt  }
0x5a: {  	_ =	shalt  }
0x5b: {  	_ =	shalt  }
0x5c: {  	_ =	shalt  }
0x5d: {  	_ =	shalt  }
0x5e: {  	_ =	shalt  }
0x5f: {  	_ =	shalt  }
0x60: {  	_ =	shalt  }
0x61: {  	_ =	shalt  }
0x62: {  	_ =	shalt  }
0x63: {  	_ =	shalt  }
0x64: {  	_ =	shalt  }
0x65: {  	_ =	shalt  }
0x66: {  	_ =	shalt  }
0x67: {  	_ =	shalt  }
0x68: {  	_ =	shalt  }
0x69: {  	_ =	shalt  }
0x6a: {  	_ =	shalt  }
0x6b: {  	_ =	shalt  }
0x6c: {  	_ =	shalt  }
0x6d: {  	_ =	shalt  }
0x6e: {  	_ =	shalt  }
0x6f: {  	_ =	shalt  }
0x70: {  	_ =	shalt  }
0x71: {  	_ =	shalt  }
0x72: {  	_ =	shalt  }
0x73: {  	_ =	shalt  }
0x74: {  	_ =	shalt  }
0x75: {  	_ =	shalt  }
0x76: {  	_ =	shalt  }
0x77: {  	_ =	shalt  }
0x78: {  	_ =	shalt  }
0x79: {  	_ =	shalt  }
0x7a: {  	_ =	shalt  }
0x7b: {  	_ =	shalt  }
0x7c: {  	_ =	shalt  }
0x7d: {  	_ =	shalt  }
0x7e: {  	_ =	shalt  }
0x7f: {  	_ =	shalt  }
0x80: {  	_ =	shalt  }
0x81: {  	_ =	shalt  }
0x82: {  	_ =	shalt  }
0x83: {  	_ =	shalt  }
0x84: {  	_ =	shalt  }
0x85: {  	_ =	shalt  }
0x86: {  	_ =	shalt  }
0x87: {  	_ =	shalt  }
.Lfunc_end0:
.L_simem_size_0:
called_computation.1_lowered:
.L_overlay_start_0:
0x88: {  	s2 =	sld [smem:$0x3FD9]  }
0x89: {  	s3 =	sld [smem:$0x3FFE];
	_ =	sdelay $0x1  }
0x8a: {  	s1 =	srdreg.scid  }
0x8b: {  	s0 =	sand.u32 $0x1, s1  }
0x8c: {  	s18 =	sshll.u32 s0, $0xA;
	s2 =	sadd.s32 s3, s2  }
0x8d: {  	s2 =	sadd.s32 s2, s18  }
0x8e: {  	[smem:$0x3FC7] =	sst s2  }
0x8f: {  	_ = 	snop  }
0x90: {  	s2 =	sld [smem:$0x3FC9]  }
0x91: {  	s19 =	sld [smem:$0x3FD0];
	(tm) =	ssettm $0x1  }
0x92: {  	s4 =	sld [smem:$0x3FFB];
	_ =	sdelay $0x3  }
0x93: {  	_ =	strace s4  }
0x94: {  	s4 =	sld [smem:$0x3FFC];
	_ =	sdelay $0x3  }
0x95: {  	_ =	strace s4  }
0x96: {  	s4 =	sld [smem:$0x3FFD];
	_ =	sdelay $0x3  }
0x97: {  	_ =	strace s4  }
0x98: {  	_ =	strace $0x8FFFFFFF  }
0x99: {  	s20 =	sld [smem:$0x3FDB];
	_ =	sdelay $0x1  }
0x9a: {  	s5 =	simm.s32 $_scs_section_size  }
0x9b: {  	s6 =	simm.s32 $_size__tile_overlayer_lowered;
	s7 =	simm.s32 $_tile_overlayer_lowered  }
0x9c: {  	s23 =	simm.s32 $0x1BFF;
	s22 =	sshll.u32 s7, $0x1;
	s4 =	sadd.s32 s5, s20  }
0x9d: {  	s8 =	simm.s32 $0x0;
	s21 =	sshll.u32 s6, $0x1;
	s6 =	sadd.s32 s22, s4  }
0x9e: {  	[timem:s8], [sflag:s23] =	dma.local [hbm:s6], s21  }
0x9f: {  	_ =	swait.ge [sflag:s23], s21  }
0xa0: {  	s5 =	ssub.s32 $0x0, s21;
	[sflag:s23] =	ssyncset.done $0x0  }
0xa1: {  	[sflag:s23] =	ssyncadd.s32 s5;
	_ =	sdelay $0x1  }
0xa2: {  	s24 =	simm.s32 $0x1B8B  }
0xa3: {  	_ =	swait.ge [sflag:s24], $0x1  }
0xa4: {  	[sflag:s24] =	ssyncset.done $0x0  }
0xa5: {  	s25 =	simm.s32 $0x1B8E;
	[sflag:s24] =	ssyncadd.s32 $0xFFFFFFFF  }
0xa6: {  	s26 =	simm.s32 $execute0_lowered;
	[smem:$0x3FD2] =	sst s25  }
0xa7: {  	s5 =	sshll.u32 s26, $0x1;
	_ =	strace $0x80000046;
	[dreg:$0x1] =	wrdreg $0xFFFFFFFF  }
0xa8: {  	s28 =	simm.s32 $_size_execute0_lowered;
	s4 =	sadd.s32 s4, s5;
	[dreg:$0x0] =	wrdreg $0x0  }
0xa9: {  	s5 =	sshll.u32 s28, $0x1;
	[dreg:$0x2] =	wrdreg s4  }
0xaa: {  	[dreg:$0x3] =	wrdreg s5  }
0xab: {  	[dreg:$0x4] =	wrdreg $0xC0  }
0xac: {  	_ =	task [dreg:s8], $0x5FFFF  }
0xad: {  	[dreg:$0x1] =	wrdreg $0xFFFFFFFF  }
0xae: {  	[dreg:$0x0] =	wrdreg $0x60  }
0xaf: {  	[dreg:$0x2] =	wrdreg s2  }
0xb0: {  	[dreg:$0x3] =	wrdreg s19  }
0xb1: {  	[dreg:$0x4] =	wrdreg $0x9  }
0xb2: {  	_ =	task.clear_ibuf [dreg:s8], $0x5FFFF;
	_ =	strace $0x90000046  }
0xb3: {  	s29 =	simm.s32 $0x9;
	_ =	strace $0x80000048  }
0xb4: {  	_ =	swait.ge [sflag:s29], $0x1  }
0xb5: {  	[sflag:s29] =	ssyncadd.s32 $0xFFFFFFFF  }
0xb6: {  	_ =	strace $0x90000048  }
0xb7: {  	_ =	sfence  }
0xb8: {  	s30 =	sld [smem:$0x0];
	_ =	sdelay $0x2  }
0xb9: {  	s31 =	sshll.u32 s1, $0xD;
	s1 =	sshrl.u32 s1, $0x2  }
0xba: {  	s3 =	sand.u32 $0x4000, s31;
	s1 =	sadd.s32 s1, s30  }
0xbb: {  	s0 =	sor.u32 s3, s0;
	s1 =	sshll.u32 s1, $0x11  }
0xbc: {  	s0 =	sor.u32 s1, s0  }
0xbd: {  	s0 =	sadd.s32 $0x8F2B, s0  }
0xbe: {  	[sflag:s0] =	ssyncadd.remote.s32 $0x1  }
0xbf: {  	_ =	sfence.sel $0xFFFF  }
0xc0: {  	[dreg:$0x0] =	wrdreg $0xFFFFFFFF;
	(pc) =	sbr.abs _section_cstart, $3  }
0xc1: {  	[dreg:$0x1] =	wrdreg $0xFFFFFFFF  }
0xc2: {  	_ =	task.clear_ibuf [dreg:s8], $0x2FFFF;
	_ =	strace $0x9FFFFFFF  }
0xc3: {  	(tm) =	ssettm $0x7FFFFFFF  }
tec
execute0_lowered:
.L_overlay_start_1:
0x0: {  	(tag) =	ssettag $0x1  }
0x1: {  	s3 =	rddreg [dreg:$0x0];
	s1 =	srdreg.scid  }
0x2: {  	s0 =	stileid.u32;
	s4 =	rddreg [dreg:$0x1];
	s2 =	simm.s32 $0x0  }
0x3: {  	s13 =	simm.s32 $0x3;
	s14 =	simm.s32 $0x200;
	s15 =	simm.s32 $0xFC00  }
0x4: {  	s16 =	simm.s32 $0x1;
	s5 =	sand.u32 $0x1, s1;
	s6 =	sshll.u32 s0, $0x1  }
0x5: {  	s17 =	simm.s32 $0x2;
	s18 =	simm.s32 $0x0;
	s6 =	sor.u32 s5, s6  }
0x6: {  	[smem:$0x7FF] =	sst s2;
	s5 =	ssub.s32 $0x2, s5;
	s7 =	smul.u32 $0x7D000, s6  }
0x7: {  	s1 =	rddreg [dreg:$0x2];
	_ =	strace $0x80000047;
	s8 =	sshrl.u32 s5, $0x1  }
0x8: {  	s9 =	sshll.u32 s6, $0x6;
	s6 =	smul.u32 $0xFA00, s6;
	s7 =	sshrl.u32 s7, $0x3  }
0x9: {  	v0 =	vlaneseq.u32;
	s12 =	ssub.s32 s5, s8;
	s3 =	sadd.s32 s3, s9;
	s11 =	sadd.s32 s4, s7  }
0xa: {  	v1 =	vimm.f32 $1.000000050e-04;
	v0 =	vmul.u32 $0x3E8, v0;
	s12 =	smax.u32 s12, $0x1;
	s4 =	sadd.s32 s4, s6;
	s5 =	sadd.s32 $0x1F40, s11  }
0xb: {  	v2 =	vimm.f32 $9.000999930e-01;
	s6 =	sadd.s32 $0x3E80, s11;
	s7 =	sadd.s32 $0x5DC0, s11;
	s8 =	sadd.s32 $0x7D00, s11  }
0xc: {  	v3 =	vadd.s32 $0x3E80, v0;
	v4 =	vadd.s32 $0x7D00, v0;
	v5 =	vadd.s32 $0xBB80, v0;
	s9 =	sadd.s32 $0x9C40, s11;
	s10 =	sadd.s32 $0xBB80, s11;
	s11 =	sadd.s32 $0xDAC0, s11  }
.LBB2_1:
0xd: {  	[tilespmem:s2], [sflag:$0x3] =	stream.linear.gather [hbm4b:s3+s2], $0x200, $0x38;
	[tilespmem:$0x1F600] =	vst v63  }
0xe: {  	_ =	swait.ge [sflag:s13], $0x200  }
0xf: {  	[sflag:s13] =	ssyncset.done $0x0  }
0x10: {  	s19 =	simm.s32 $0x0;
	[sflag:s13] =	ssyncadd.s32 $0xFFFFFE00  }
.LBB2_2:
0x11: {  	p0 =	sne.s32 s19, $0x3E7C0  }
.Ltmp0:
0x12: {  	_ = 	snop;
	(pc) =	sbr.rel @p0 .LBB2_2-.Ltmp0, $3  }
0x13: {  	_ =	sdelay $0x1  }
0x14: {  	s20 =	sshra.s32 s19, $0x2  }
0x15: {  	s19 =	sadd.s32 $0x40, s19;
	[tilespmem:s20+$0x200] =	vst v1  }
0x16: {  	s19 =	simm.s32 $0x40;
	s20 =	simm.s32 $0x0  }
.LBB2_4:
0x17: {  	p0 =	sne.s32 s19, $0x3E7C0;
	[tilespmem:s20+$0xFC00] =	vst v1;
	s20 =	smov.u32 s19;
	s19 =	sadd.s32 $0x40, s19  }
.Ltmp1:
0x18: {  	(pc) =	sbr.rel @p0 .LBB2_4-.Ltmp1, $2  }
0x19: {  	_ =	sdelay $0x2  }
0x1a: {  	s20 =	sshra.s32 s20, $0x2  }
0x1b: {  	[tilespmem:s20+$0xFC00] =	vst v1  }
0x1c: {  	v6 =	vld [tilespmem:$0x0];
	_ =	sdelay $0x4  }
0x1d: {  	v6 =	vadd.s32 v0, v6;
	_ =	sdelay $0x4  }
0x1e: {  	[tilespmem:v6+s14+$0x0] =	vst.idx.msk $0xffff, v2  }
0x1f: {  	v6 =	vld [tilespmem:$0x10];
	_ =	sdelay $0x4  }
0x20: {  	v6 =	vadd.s32 v3, v6;
	_ =	sdelay $0x4  }
0x21: {  	[tilespmem:v6+s14+$0x0] =	vst.idx.msk $0xffff, v2  }
0x22: {  	v6 =	vld [tilespmem:$0x20];
	_ =	sdelay $0x4  }
0x23: {  	v6 =	vadd.s32 v4, v6;
	_ =	sdelay $0x4  }
0x24: {  	[tilespmem:v6+s14+$0x0] =	vst.idx.msk $0xffff, v2  }
0x25: {  	v6 =	vld [tilespmem:$0x30];
	_ =	sdelay $0x4  }
0x26: {  	v6 =	vadd.s32 v5, v6;
	_ =	sdelay $0x4  }
0x27: {  	[tilespmem:v6+s14+$0x0] =	vst.idx.msk $0xffff, v2  }
0x28: {  	[hbm4b:s4+s2] =	stream.linear.scatter [tilespmem:s14], [sflag:$0x1], $0xFA00, $0x38;
	[tilespmem:$0x1F600] =	vst v63  }
0x29: {  	v6 =	vld [tilespmem:$0x40];
	_ =	sdelay $0x4  }
0x2a: {  	v6 =	vadd.s32 v0, v6;
	_ =	sdelay $0x4  }
0x2b: {  	[tilespmem:v6+s15+$0x0] =	vst.idx.msk $0xffff, v2  }
0x2c: {  	v6 =	vld [tilespmem:$0x50];
	_ =	sdelay $0x4  }
0x2d: {  	v6 =	vadd.s32 v3, v6;
	_ =	sdelay $0x4  }
0x2e: {  	[tilespmem:v6+s15+$0x0] =	vst.idx.msk $0xffff, v2  }
0x2f: {  	v6 =	vld [tilespmem:$0x60];
	_ =	sdelay $0x4  }
0x30: {  	v6 =	vadd.s32 v4, v6;
	_ =	sdelay $0x4  }
0x31: {  	[tilespmem:v6+s15+$0x0] =	vst.idx.msk $0xffff, v2  }
0x32: {  	v6 =	vld [tilespmem:$0x70];
	_ =	sdelay $0x4  }
0x33: {  	v6 =	vadd.s32 v5, v6;
	_ =	sdelay $0x4  }
0x34: {  	[tilespmem:v6+s15+$0x0] =	vst.idx.msk $0xffff, v2  }
0x35: {  	[hbm4b:s5+s2] =	stream.linear.scatter [tilespmem:s15], [sflag:$0x2], $0xFA00, $0x38;
	[tilespmem:$0x1F600] =	vst v63  }
0x36: {  	_ =	swait.ge [sflag:s16], $0xFA00  }
0x37: {  	[sflag:s16] =	ssyncset.done $0x0  }
0x38: {  	[sflag:s16] =	ssyncadd.s32 $0xFFFF0600  }
0x39: {  	v6 =	vld [tilespmem:$0x0];
	_ =	sdelay $0x4  }
0x3a: {  	v6 =	vadd.s32 v0, v6;
	_ =	sdelay $0x4  }
0x3b: {  	[tilespmem:v6+s14+$0x0] =	vst.idx.msk $0xffff, v1  }
0x3c: {  	v6 =	vld [tilespmem:$0x10];
	_ =	sdelay $0x4  }
0x3d: {  	v6 =	vadd.s32 v3, v6;
	_ =	sdelay $0x4  }
0x3e: {  	[tilespmem:v6+s14+$0x0] =	vst.idx.msk $0xffff, v1  }
0x3f: {  	v6 =	vld [tilespmem:$0x20];
	_ =	sdelay $0x4  }
0x40: {  	v6 =	vadd.s32 v4, v6;
	_ =	sdelay $0x4  }
0x41: {  	[tilespmem:v6+s14+$0x0] =	vst.idx.msk $0xffff, v1  }
0x42: {  	v6 =	vld [tilespmem:$0x30];
	_ =	sdelay $0x4  }
0x43: {  	v6 =	vadd.s32 v5, v6;
	_ =	sdelay $0x4  }
0x44: {  	[tilespmem:v6+s14+$0x0] =	vst.idx.msk $0xffff, v1  }
0x45: {  	v6 =	vld [tilespmem:$0x80];
	_ =	sdelay $0x4  }
0x46: {  	v6 =	vadd.s32 v0, v6;
	_ =	sdelay $0x4  }
0x47: {  	[tilespmem:v6+s14+$0x0] =	vst.idx.msk $0xffff, v2  }
0x48: {  	v6 =	vld [tilespmem:$0x90];
	_ =	sdelay $0x4  }
0x49: {  	v6 =	vadd.s32 v3, v6;
	_ =	sdelay $0x4  }
0x4a: {  	[tilespmem:v6+s14+$0x0] =	vst.idx.msk $0xffff, v2  }
0x4b: {  	v6 =	vld [tilespmem:$0xA0];
	_ =	sdelay $0x4  }
0x4c: {  	v6 =	vadd.s32 v4, v6;
	_ =	sdelay $0x4  }
0x4d: {  	[tilespmem:v6+s14+$0x0] =	vst.idx.msk $0xffff, v2  }
0x4e: {  	v6 =	vld [tilespmem:$0xB0];
	_ =	sdelay $0x4  }
0x4f: {  	v6 =	vadd.s32 v5, v6;
	_ =	sdelay $0x4  }
0x50: {  	[tilespmem:v6+s14+$0x0] =	vst.idx.msk $0xffff, v2  }
0x51: {  	[hbm4b:s6+s2] =	stream.linear.scatter [tilespmem:s14], [sflag:$0x1], $0xFA00, $0x38;
	[tilespmem:$0x1F600] =	vst v63  }
0x52: {  	_ =	swait.ge [sflag:s17], $0xFA00  }
0x53: {  	[sflag:s17] =	ssyncset.done $0x0  }
0x54: {  	[sflag:s17] =	ssyncadd.s32 $0xFFFF0600  }
0x55: {  	v6 =	vld [tilespmem:$0x40];
	_ =	sdelay $0x4  }
0x56: {  	v6 =	vadd.s32 v0, v6;
	_ =	sdelay $0x4  }
0x57: {  	[tilespmem:v6+s15+$0x0] =	vst.idx.msk $0xffff, v1  }
0x58: {  	v6 =	vld [tilespmem:$0x50];
	_ =	sdelay $0x4  }
0x59: {  	v6 =	vadd.s32 v3, v6;
	_ =	sdelay $0x4  }
0x5a: {  	[tilespmem:v6+s15+$0x0] =	vst.idx.msk $0xffff, v1  }
0x5b: {  	v6 =	vld [tilespmem:$0x60];
	_ =	sdelay $0x4  }
0x5c: {  	v6 =	vadd.s32 v4, v6;
	_ =	sdelay $0x4  }
0x5d: {  	[tilespmem:v6+s15+$0x0] =	vst.idx.msk $0xffff, v1  }
0x5e: {  	v6 =	vld [tilespmem:$0x70];
	_ =	sdelay $0x4  }
0x5f: {  	v6 =	vadd.s32 v5, v6;
	_ =	sdelay $0x4  }
0x60: {  	[tilespmem:v6+s15+$0x0] =	vst.idx.msk $0xffff, v1  }
0x61: {  	v6 =	vld [tilespmem:$0xC0];
	_ =	sdelay $0x4  }
0x62: {  	v6 =	vadd.s32 v0, v6;
	_ =	sdelay $0x4  }
0x63: {  	[tilespmem:v6+s15+$0x0] =	vst.idx.msk $0xffff, v2  }
0x64: {  	v6 =	vld [tilespmem:$0xD0];
	_ =	sdelay $0x4  }
0x65: {  	v6 =	vadd.s32 v3, v6;
	_ =	sdelay $0x4  }
0x66: {  	[tilespmem:v6+s15+$0x0] =	vst.idx.msk $0xffff, v2  }
0x67: {  	v6 =	vld [tilespmem:$0xE0];
	_ =	sdelay $0x4  }
0x68: {  	v6 =	vadd.s32 v4, v6;
	_ =	sdelay $0x4  }
0x69: {  	[tilespmem:v6+s15+$0x0] =	vst.idx.msk $0xffff, v2  }
0x6a: {  	v6 =	vld [tilespmem:$0xF0];
	_ =	sdelay $0x4  }
0x6b: {  	v6 =	vadd.s32 v5, v6;
	_ =	sdelay $0x4  }
0x6c: {  	[tilespmem:v6+s15+$0x0] =	vst.idx.msk $0xffff, v2  }
0x6d: {  	[hbm4b:s7+s2] =	stream.linear.scatter [tilespmem:s15], [sflag:$0x2], $0xFA00, $0x38;
	[tilespmem:$0x1F600] =	vst v63  }
0x6e: {  	_ =	swait.ge [sflag:s16], $0xFA00  }
0x6f: {  	[sflag:s16] =	ssyncset.done $0x0  }
0x70: {  	[sflag:s16] =	ssyncadd.s32 $0xFFFF0600  }
0x71: {  	v6 =	vld [tilespmem:$0x80];
	_ =	sdelay $0x4  }
0x72: {  	v6 =	vadd.s32 v0, v6;
	_ =	sdelay $0x4  }
0x73: {  	[tilespmem:v6+s14+$0x0] =	vst.idx.msk $0xffff, v1  }
0x74: {  	v6 =	vld [tilespmem:$0x90];
	_ =	sdelay $0x4  }
0x75: {  	v6 =	vadd.s32 v3, v6;
	_ =	sdelay $0x4  }
0x76: {  	[tilespmem:v6+s14+$0x0] =	vst.idx.msk $0xffff, v1  }
0x77: {  	v6 =	vld [tilespmem:$0xA0];
	_ =	sdelay $0x4  }
0x78: {  	v6 =	vadd.s32 v4, v6;
	_ =	sdelay $0x4  }
0x79: {  	[tilespmem:v6+s14+$0x0] =	vst.idx.msk $0xffff, v1  }
0x7a: {  	v6 =	vld [tilespmem:$0xB0];
	_ =	sdelay $0x4  }
0x7b: {  	v6 =	vadd.s32 v5, v6;
	_ =	sdelay $0x4  }
0x7c: {  	[tilespmem:v6+s14+$0x0] =	vst.idx.msk $0xffff, v1  }
0x7d: {  	v6 =	vld [tilespmem:$0x100];
	_ =	sdelay $0x4  }
0x7e: {  	v6 =	vadd.s32 v0, v6;
	_ =	sdelay $0x4  }
0x7f: {  	[tilespmem:v6+s14+$0x0] =	vst.idx.msk $0xffff, v2  }
0x80: {  	v6 =	vld [tilespmem:$0x110];
	_ =	sdelay $0x4  }
0x81: {  	v6 =	vadd.s32 v3, v6;
	_ =	sdelay $0x4  }
0x82: {  	[tilespmem:v6+s14+$0x0] =	vst.idx.msk $0xffff, v2  }
0x83: {  	v6 =	vld [tilespmem:$0x120];
	_ =	sdelay $0x4  }
0x84: {  	v6 =	vadd.s32 v4, v6;
	_ =	sdelay $0x4  }
0x85: {  	[tilespmem:v6+s14+$0x0] =	vst.idx.msk $0xffff, v2  }
0x86: {  	v6 =	vld [tilespmem:$0x130];
	_ =	sdelay $0x4  }
0x87: {  	v6 =	vadd.s32 v5, v6;
	_ =	sdelay $0x4  }
0x88: {  	[tilespmem:v6+s14+$0x0] =	vst.idx.msk $0xffff, v2  }
0x89: {  	[hbm4b:s8+s2] =	stream.linear.scatter [tilespmem:s14], [sflag:$0x1], $0xFA00, $0x38;
	[tilespmem:$0x1F600] =	vst v63  }
0x8a: {  	_ =	swait.ge [sflag:s17], $0xFA00  }
0x8b: {  	[sflag:s17] =	ssyncset.done $0x0  }
0x8c: {  	[sflag:s17] =	ssyncadd.s32 $0xFFFF0600  }
0x8d: {  	v6 =	vld [tilespmem:$0xC0];
	_ =	sdelay $0x4  }
0x8e: {  	v6 =	vadd.s32 v0, v6;
	_ =	sdelay $0x4  }
0x8f: {  	[tilespmem:v6+s15+$0x0] =	vst.idx.msk $0xffff, v1  }
0x90: {  	v6 =	vld [tilespmem:$0xD0];
	_ =	sdelay $0x4  }
0x91: {  	v6 =	vadd.s32 v3, v6;
	_ =	sdelay $0x4  }
0x92: {  	[tilespmem:v6+s15+$0x0] =	vst.idx.msk $0xffff, v1  }
0x93: {  	v6 =	vld [tilespmem:$0xE0];
	_ =	sdelay $0x4  }
0x94: {  	v6 =	vadd.s32 v4, v6;
	_ =	sdelay $0x4  }
0x95: {  	[tilespmem:v6+s15+$0x0] =	vst.idx.msk $0xffff, v1  }
0x96: {  	v6 =	vld [tilespmem:$0xF0];
	_ =	sdelay $0x4  }
0x97: {  	v6 =	vadd.s32 v5, v6;
	_ =	sdelay $0x4  }
0x98: {  	[tilespmem:v6+s15+$0x0] =	vst.idx.msk $0xffff, v1  }
0x99: {  	v6 =	vld [tilespmem:$0x140];
	_ =	sdelay $0x4  }
0x9a: {  	v6 =	vadd.s32 v0, v6;
	_ =	sdelay $0x4  }
0x9b: {  	[tilespmem:v6+s15+$0x0] =	vst.idx.msk $0xffff, v2  }
0x9c: {  	v6 =	vld [tilespmem:$0x150];
	_ =	sdelay $0x4  }
0x9d: {  	v6 =	vadd.s32 v3, v6;
	_ =	sdelay $0x4  }
0x9e: {  	[tilespmem:v6+s15+$0x0] =	vst.idx.msk $0xffff, v2  }
0x9f: {  	v6 =	vld [tilespmem:$0x160];
	_ =	sdelay $0x4  }
0xa0: {  	v6 =	vadd.s32 v4, v6;
	_ =	sdelay $0x4  }
0xa1: {  	[tilespmem:v6+s15+$0x0] =	vst.idx.msk $0xffff, v2  }
0xa2: {  	v6 =	vld [tilespmem:$0x170];
	_ =	sdelay $0x4  }
0xa3: {  	v6 =	vadd.s32 v5, v6;
	_ =	sdelay $0x4  }
0xa4: {  	[tilespmem:v6+s15+$0x0] =	vst.idx.msk $0xffff, v2  }
0xa5: {  	[hbm4b:s9+s2] =	stream.linear.scatter [tilespmem:s15], [sflag:$0x2], $0xFA00, $0x38;
	[tilespmem:$0x1F600] =	vst v63  }
0xa6: {  	_ =	swait.ge [sflag:s16], $0xFA00  }
0xa7: {  	[sflag:s16] =	ssyncset.done $0x0  }
0xa8: {  	[sflag:s16] =	ssyncadd.s32 $0xFFFF0600  }
0xa9: {  	v6 =	vld [tilespmem:$0x100];
	_ =	sdelay $0x4  }
0xaa: {  	v6 =	vadd.s32 v0, v6;
	_ =	sdelay $0x4  }
0xab: {  	[tilespmem:v6+s14+$0x0] =	vst.idx.msk $0xffff, v1  }
0xac: {  	v6 =	vld [tilespmem:$0x110];
	_ =	sdelay $0x4  }
0xad: {  	v6 =	vadd.s32 v3, v6;
	_ =	sdelay $0x4  }
0xae: {  	[tilespmem:v6+s14+$0x0] =	vst.idx.msk $0xffff, v1  }
0xaf: {  	v6 =	vld [tilespmem:$0x120];
	_ =	sdelay $0x4  }
0xb0: {  	v6 =	vadd.s32 v4, v6;
	_ =	sdelay $0x4  }
0xb1: {  	[tilespmem:v6+s14+$0x0] =	vst.idx.msk $0xffff, v1  }
0xb2: {  	v6 =	vld [tilespmem:$0x130];
	_ =	sdelay $0x4  }
0xb3: {  	v6 =	vadd.s32 v5, v6;
	_ =	sdelay $0x4  }
0xb4: {  	[tilespmem:v6+s14+$0x0] =	vst.idx.msk $0xffff, v1  }
0xb5: {  	v6 =	vld [tilespmem:$0x180];
	_ =	sdelay $0x4  }
0xb6: {  	v6 =	vadd.s32 v0, v6;
	_ =	sdelay $0x4  }
0xb7: {  	[tilespmem:v6+s14+$0x0] =	vst.idx.msk $0xffff, v2  }
0xb8: {  	v6 =	vld [tilespmem:$0x190];
	_ =	sdelay $0x4  }
0xb9: {  	v6 =	vadd.s32 v3, v6;
	_ =	sdelay $0x4  }
0xba: {  	[tilespmem:v6+s14+$0x0] =	vst.idx.msk $0xffff, v2  }
0xbb: {  	v6 =	vld [tilespmem:$0x1A0];
	_ =	sdelay $0x4  }
0xbc: {  	v6 =	vadd.s32 v4, v6;
	_ =	sdelay $0x4  }
0xbd: {  	[tilespmem:v6+s14+$0x0] =	vst.idx.msk $0xffff, v2  }
0xbe: {  	v6 =	vld [tilespmem:$0x1B0];
	_ =	sdelay $0x4  }
0xbf: {  	v6 =	vadd.s32 v5, v6;
	_ =	sdelay $0x4  }
0xc0: {  	[tilespmem:v6+s14+$0x0] =	vst.idx.msk $0xffff, v2  }
0xc1: {  	[hbm4b:s10+s2] =	stream.linear.scatter [tilespmem:s14], [sflag:$0x1], $0xFA00, $0x38;
	[tilespmem:$0x1F600] =	vst v63  }
0xc2: {  	_ =	swait.ge [sflag:s17], $0xFA00  }
0xc3: {  	[sflag:s17] =	ssyncset.done $0x0  }
0xc4: {  	[sflag:s17] =	ssyncadd.s32 $0xFFFF0600  }
0xc5: {  	v6 =	vld [tilespmem:$0x140];
	_ =	sdelay $0x4  }
0xc6: {  	v6 =	vadd.s32 v0, v6;
	_ =	sdelay $0x4  }
0xc7: {  	[tilespmem:v6+s15+$0x0] =	vst.idx.msk $0xffff, v1  }
0xc8: {  	v6 =	vld [tilespmem:$0x150];
	_ =	sdelay $0x4  }
0xc9: {  	v6 =	vadd.s32 v3, v6;
	_ =	sdelay $0x4  }
0xca: {  	[tilespmem:v6+s15+$0x0] =	vst.idx.msk $0xffff, v1  }
0xcb: {  	v6 =	vld [tilespmem:$0x160];
	_ =	sdelay $0x4  }
0xcc: {  	v6 =	vadd.s32 v4, v6;
	_ =	sdelay $0x4  }
0xcd: {  	[tilespmem:v6+s15+$0x0] =	vst.idx.msk $0xffff, v1  }
0xce: {  	v6 =	vld [tilespmem:$0x170];
	_ =	sdelay $0x4  }
0xcf: {  	v6 =	vadd.s32 v5, v6;
	_ =	sdelay $0x4  }
0xd0: {  	[tilespmem:v6+s15+$0x0] =	vst.idx.msk $0xffff, v1  }
0xd1: {  	v6 =	vld [tilespmem:$0x1C0];
	_ =	sdelay $0x4  }
0xd2: {  	v6 =	vadd.s32 v0, v6;
	_ =	sdelay $0x4  }
0xd3: {  	[tilespmem:v6+s15+$0x0] =	vst.idx.msk $0xffff, v2  }
0xd4: {  	v6 =	vld [tilespmem:$0x1D0];
	_ =	sdelay $0x4  }
0xd5: {  	v6 =	vadd.s32 v3, v6;
	_ =	sdelay $0x4  }
0xd6: {  	[tilespmem:v6+s15+$0x0] =	vst.idx.msk $0xffff, v2  }
0xd7: {  	v6 =	vld [tilespmem:$0x1E0];
	_ =	sdelay $0x4  }
0xd8: {  	v6 =	vadd.s32 v4, v6;
	_ =	sdelay $0x4  }
0xd9: {  	[tilespmem:v6+s15+$0x0] =	vst.idx.msk $0xffff, v2  }
0xda: {  	v6 =	vld [tilespmem:$0x1F0];
	_ =	sdelay $0x4  }
0xdb: {  	v6 =	vadd.s32 v5, v6;
	_ =	sdelay $0x4  }
0xdc: {  	s18 =	sadd.s32 $0x1, s18;
	[tilespmem:v6+s15+$0x0] =	vst.idx.msk $0xffff, v2  }
0xdd: {  	[hbm4b:s11+s2] =	stream.linear.scatter [tilespmem:s15], [sflag:$0x2], $0xFA00, $0x38;
	[tilespmem:$0x1F600] =	vst v63  }
0xde: {  	p0 =	sne.s32 s18, s12;
	_ =	swait.ge [sflag:s16], $0xFA00  }
.Ltmp2:
0xdf: {  	[sflag:s16] =	ssyncset.done $0x0;
	(pc) =	sbr.rel @p0 .LBB2_1-.Ltmp2, $4  }
0xe0: {  	[sflag:s16] =	ssyncadd.s32 $0xFFFF0600  }
0xe1: {  	_ =	swait.ge [sflag:s17], $0xFA00  }
0xe2: {  	[sflag:s17] =	ssyncset.done $0x0  }
0xe3: {  	[sflag:s17] =	ssyncadd.s32 $0xFFFF0600  }
0xe4: {  	_ =	sfence.sel $0x180000  }
0xe5: {  	[bflag:$0x0] =	sbarrier.arrive $0xFFFF  }
0xe6: {  	p0 =	sne.s32 s0, $0x0;
	_ =	strace $0x90000047  }
0xe7: {  	s0 =	sadd.s32 @!p0 $0x100000, s1;
	[bflag:$0x2] =	sbarrier.arrive $0xFFFF  }
0xe8: {  	[sflag:s0] =	ssyncadd.tile.s32 @!p0 $0x1;
	_ =	shalt  }
.Lfunc_end2:
_tile_overlayer_lowered:
.L_overlay_start_2:
0xe9: {  	(tag) =	ssettag $0x2  }
0xea: {  	s0 =	rddreg [dreg:$0x0];
	s2 =	stileid.u32  }
0xeb: {  	s1 =	rddreg [dreg:$0x1];
	p0 =	sne.s32 s2, $0x0  }
0xec: {  	s3 =	rddreg [dreg:$0x2];
	[bflag:$0x3] =	sbarrier.arrive $0xFFFF;
	s2 =	simm.s32 @!p0 $0x1C03  }
0xed: {  	[timem:s3], [sflag:s2] =	dma.local @!p0 [hbm:s0], s1  }
0xee: {  	s0 =	simm.s32 @!p0 $0x3  }
0xef: {  	_ =	swait.ge @!p0 [sflag:s0], s1  }
0xf0: {  	s1 =	ssub.s32 @!p0 $0x0, s1;
	[sflag:s0] =	ssyncset.done @!p0 $0x0  }
0xf1: {  	[sflag:s0] =	ssyncadd.s32 @!p0 s1  }
0xf2: {  	[bflag:$0x3] =	sbarrier.arrive $0xFFFF  }
0xf3: {  	_ =	shalt  }

// kernel: sparse-core-data-format-call.cloned.1.call-start
scs
called_computation_lowered:
.L_overlay_start_0:
0x0: {  	s2 =	sld [smem:$0x3FD9]  }
0x1: {  	s3 =	sld [smem:$0x3FFE];
	_ =	sdelay $0x1  }
0x2: {  	s1 =	srdreg.scid  }
0x3: {  	s0 =	sand.u32 $0x1, s1  }
0x4: {  	s18 =	sshll.u32 s0, $0xA;
	s2 =	sadd.s32 s3, s2  }
0x5: {  	s2 =	sadd.s32 s2, s18  }
0x6: {  	[smem:$0x3FC7] =	sst s2  }
0x7: {  	_ = 	snop  }
0x8: {  	s2 =	sld [smem:$0x3FD0];
	(tm) =	ssettm $0x1  }
0x9: {  	s19 =	sld [smem:$0x3FFB];
	_ =	sdelay $0x3  }
0xa: {  	_ =	strace s19  }
0xb: {  	s3 =	sld [smem:$0x3FFC];
	_ =	sdelay $0x3  }
0xc: {  	_ =	strace s3  }
0xd: {  	s3 =	sld [smem:$0x3FFD];
	_ =	sdelay $0x3  }
0xe: {  	_ =	strace s3  }
0xf: {  	_ =	strace $0x8FFFFFFF  }
0x10: {  	s20 =	sld [smem:$0x3FDB];
	_ =	sdelay $0x1  }
0x11: {  	s4 =	simm.s32 $_scs_section_size  }
0x12: {  	s5 =	simm.s32 $_size__tile_overlayer_lowered;
	s6 =	simm.s32 $_tile_overlayer_lowered  }
0x13: {  	s23 =	simm.s32 $0x1BFF;
	s22 =	sshll.u32 s6, $0x1;
	s3 =	sadd.s32 s4, s20  }
0x14: {  	s7 =	simm.s32 $0x0;
	s21 =	sshll.u32 s5, $0x1;
	s5 =	sadd.s32 s22, s3  }
0x15: {  	[timem:s7], [sflag:s23] =	dma.local [hbm:s5], s21  }
0x16: {  	_ =	swait.ge [sflag:s23], s21  }
0x17: {  	s4 =	ssub.s32 $0x0, s21;
	[sflag:s23] =	ssyncset.done $0x0  }
0x18: {  	[sflag:s23] =	ssyncadd.s32 s4;
	_ =	sdelay $0x1  }
0x19: {  	s24 =	simm.s32 $0x1B8B  }
0x1a: {  	_ =	swait.ge [sflag:s24], $0x1  }
0x1b: {  	[sflag:s24] =	ssyncset.done $0x0  }
0x1c: {  	s26 =	simm.s32 $0x1B8E;
	s25 =	sld [smem:$0x3FFE];
	[sflag:s24] =	ssyncadd.s32 $0xFFFFFFFF  }
0x1d: {  	s27 =	simm.s32 $execute0_lowered;
	[smem:$0x3FD2] =	sst s26  }
0x1e: {  	s5 =	sshll.u32 s27, $0x1;
	_ =	strace $0x80000049;
	[dreg:$0x1] =	wrdreg $0xFFFFFFFF  }
0x1f: {  	s28 =	simm.s32 $_size_execute0_lowered;
	s3 =	sadd.s32 s3, s5;
	[dreg:$0x0] =	wrdreg $0x0  }
0x20: {  	s5 =	sshll.u32 s28, $0x1;
	[dreg:$0x2] =	wrdreg s3  }
0x21: {  	[dreg:$0x3] =	wrdreg s5  }
0x22: {  	[dreg:$0x4] =	wrdreg $0xC0  }
0x23: {  	_ =	task [dreg:s7], $0x5FFFF  }
0x24: {  	[dreg:$0x1] =	wrdreg $0xFFFFFFFF  }
0x25: {  	[dreg:$0x0] =	wrdreg $0x60  }
0x26: {  	[dreg:$0x2] =	wrdreg s25  }
0x27: {  	[dreg:$0x3] =	wrdreg s2  }
0x28: {  	[dreg:$0x4] =	wrdreg $0x9  }
0x29: {  	_ =	task.clear_ibuf [dreg:s7], $0x5FFFF;
	_ =	strace $0x90000049  }
0x2a: {  	s29 =	simm.s32 $0x9;
	_ =	strace $0x8000004B  }
0x2b: {  	_ =	swait.ge [sflag:s29], $0x1  }
0x2c: {  	[sflag:s29] =	ssyncadd.s32 $0xFFFFFFFF  }
0x2d: {  	_ =	strace $0x9000004B  }
0x2e: {  	_ =	sfence  }
0x2f: {  	s30 =	sld [smem:$0x0];
	_ =	sdelay $0x2  }
0x30: {  	s31 =	sshll.u32 s1, $0xD;
	s1 =	sshrl.u32 s1, $0x2  }
0x31: {  	s3 =	sand.u32 $0x4000, s31;
	s1 =	sadd.s32 s1, s30  }
0x32: {  	s0 =	sor.u32 s3, s0;
	s1 =	sshll.u32 s1, $0x11  }
0x33: {  	s0 =	sor.u32 s1, s0  }
0x34: {  	s0 =	sadd.s32 $0x8F2B, s0  }
0x35: {  	[sflag:s0] =	ssyncadd.remote.s32 $0x1  }
0x36: {  	_ =	sfence.sel $0xFFFF  }
0x37: {  	[dreg:$0x0] =	wrdreg $0xFFFFFFFF;
	(pc) =	sbr.abs _section_cstart, $3  }
0x38: {  	[dreg:$0x1] =	wrdreg $0xFFFFFFFF  }
0x39: {  	_ =	task.clear_ibuf [dreg:s7], $0x2FFFF;
	_ =	strace $0x9FFFFFFF  }
0x3a: {  	(tm) =	ssettm $0x7FFFFFFF  }
0x3b: {  	_ =	shalt  }
tec
execute0_lowered:
.L_overlay_start_1:
0x0: {  	(tag) =	ssettag $0x1  }
0x1: {  	s0 =	srdreg.scid;
	s5 =	rddreg [dreg:$0x0]  }
0x2: {  	s3 =	rddreg [dreg:$0x1];
	s1 =	sshll.u32 s0, $0x4  }
0x3: {  	s7 =	simm.s32 $0x1;
	s0 =	stileid.u32;
	s1 =	sand.u32 $0x10, s1  }
0x4: {  	s8 =	simm.s32 $0x2;
	s15 =	simm.s32 $0x0;
	s1 =	sor.u32 s0, s1  }
0x5: {  	s14 =	simm.s32 $0x0;
	s9 =	simm.s32 $0x0;
	s2 =	sshll.u32 s1, $0x7  }
0x6: {  	s10 =	simm.s32 $0x0;
	s11 =	simm.s32 $0x0;
	s6 =	ssub.s32 $0x4000, s2  }
0x7: {  	s13 =	simm.s32 $0x0;
	s5 =	sadd.s32 $0x800, s5;
	s4 =	sand.u32 $0xF80, s6  }
.Ltmp0:
0x8: {  	s1 =	rddreg [dreg:$0x2];
	p0 =	sne.s32 s4, $0x0;
	(pc) =	sbr.rel .LBB1_1-.Ltmp0, $4  }
0x9: {  	_ =	strace $0x8000004A;
	s6 =	sshrl.u32 s6, $0xC;
	s7 =	simm.s32 @!p0 $0x0  }
0xa: {  	s12 =	smov.u32 s2;
	s4 =	simm.s32 $0x1;
	s6 =	sadd.s32 s7, s6  }
0xb: {  	[sflag:s4] =	ssyncpa.u1 $0x0;
	p0 =	por $0x0, $0x0;
	s6 =	sshll.u32 s6, $0x3  }
0xc: {  	[sflag:s8] =	ssyncpa.u1 $0x0;
	s8 =	simm.s32 $0x20000;
	s7 =	sor.u32 $0x1, s6  }
.LBB1_4:
0xd: {  	s20 =	sshra.s32 s20, $0x2  }
0xe: {  	s28 =	sand.u32 $0x78, s10;
	s21 =	sshll.u32 s9, $0xE;
	s22 =	sshll.u32 s10, $0x3  }
0xf: {  	s24 =	sshll.u32 s9, $0x7;
	p1 =	sgt.s32 s9, $0x368;
	s30 =	sshra.s32 s9, $0x1F  }
0x10: {  	s26 =	sshra.s32 s10, $0x1F;
	s19 =	sadd.s32 s20, s19;
	s21 =	sand.u32 $0xFFFE0000, s21  }
0x11: {  	v5 =	vld [tilespmem:s17+$0xFFFFFFD0];
	[tilespmem:s18+$0x2040 ss:$0x81] =	vst.msk $0xffff, v4;
	s23 =	sand.u32 $0xFFFFFC00, s22;
	s29 =	sand.u32 $0x380, s24;
	s22 =	sand.u32 $0x3C00, s22  }
0x12: {  	v58 =	vld [tilespmem:s17+$0xFFFFFFE0];
	[tilespmem:s18+$0x2850 ss:$0x81] =	vst.msk $0xffff, v3;
	s21 =	sadd.s32 s23, s21;
	s20 =	sor.u32 s28, s22;
	s22 =	smov.u32 s9  }
0x13: {  	v59 =	vld [tilespmem:s17+$0xFFFFFFF0];
	[tilespmem:s18+$0x3060 ss:$0x81] =	vst.msk $0xffff, v2;
	s24 =	sand.u32 s30, s9;
	s21 =	sshrl.u32 s21, $0xE;
	s22 =	simm.s32 @!p1 $0x368  }
0x14: {  	v60 =	vld [tilespmem:s17+$0x0];
	[tilespmem:s18+$0x0 ss:$0x81] =	vst.msk $0xffff, v1;
	p1 =	sgt.s32 s10, $0x3F80;
	s31 =	ssub.s32 s22, s24;
	s22 =	smov.u32 s10  }
0x15: {  	v61 =	vld [tilespmem:s17+$0x10];
	[tilespmem:s19+$0x3870 ss:$0x81] =	vst.msk $0xffff, v0;
	s25 =	smulhi.u32 $0x418938, s21;
	s24 =	sand.u32 s26, s10;
	s22 =	simm.s32 @!p1 $0x3F80  }
0x16: {  	v62 =	vld [tilespmem:s17+$0x20];
	s20 =	sor.u32 s29, s20;
	[tilespmem:s19+$0x810 ss:$0x81] =	vst.msk $0xffff, v5;
	s27 =	sadd.s32 $0xFFFFFC98, s31;
	s22 =	ssub.s32 s22, s24  }
0x17: {  	v63 =	vld [tilespmem:s17+$0xFFFFFFC0];
	[tilespmem:s19+$0x1020 ss:$0x81] =	vst.msk $0xffff, v58;
	s18 =	ssub.s32 $0x3E8, s31;
	s28 =	smul.u32 $0x3E8, s25;
	s29 =	sadd.s32 $0xFFFFC080, s22  }
0x18: {  	[tilespmem:s19+$0x1830 ss:$0x81] =	vst.msk $0xffff, v59;
	p1 =	sgt.s32 s27, $0x7F;
	s22 =	ssub.s32 $0x4000, s22;
	p2 =	sgt.s32 s29, $0x7F  }
0x19: {  	s30 =	sand.u32 $0x7, s10;
	[tilespmem:s19+$0x2040 ss:$0x81] =	vst.msk $0xffff, v60;
	s18 =	simm.s32 @p1 $0x0;
	s22 =	simm.s32 @p2 $0x0  }
0x1a: {  	s20 =	sshrl.u32 s20, $0x3;
	[tilespmem:s19+$0x2850 ss:$0x81] =	vst.msk $0xffff, v61;
	s17 =	ssub.s32 s21, s28;
	s18 =	smul.u32 s22, s18  }
0x1b: {  	[tilespmem:s19+$0x3060 ss:$0x81] =	vst.msk $0xffff, v62;
	s20 =	sadd.s32 s3, s20;
	s21 =	sshll.u32 s30, $0x12;
	s17 =	sshll.u32 s17, $0xB  }
0x1c: {  	[tilespmem:s19+$0x0 ss:$0x81] =	vst.msk $0xffff, v63;
	s31 =	sor.u32 $0x400, s21;
	s17 =	sadd.s32 s17, s20;
	s18 =	sand.u32 $0x3FFFFFFF, s18  }
0x1d: {  	[hbm4b:s17+s31] =	stream.strided.scatter [tilespmem:s16], [sflag:$0x2], s18, s8, s31, $0x20;
	[tilespmem:$0x10100] =	vst v63  }
.LBB1_5:
0x1e: {  	p1 =	slt.u32 s13, $0x2  }
0x1f: {  	s17 =	smov.u32 s15;
	p2 =	sgt.s32 @!p1 s15, $0x368;
	s16 =	sshra.s32 @!p1 s15, $0x1F  }
0x20: {  	p3 =	sgt.s32 @!p1 s14, $0x3F80;
	s18 =	sshra.s32 @!p1 s14, $0x1F;
	p2 =	por !p2, p1  }
0x21: {  	s15 =	sand.u32 @!p1 s16, s15;
	p3 =	por !p3, p1;
	s16 =	smov.u32 s14  }
0x22: {  	s14 =	sand.u32 @!p1 s18, s14;
	s17 =	simm.s32 @p2 $0x368;
	s16 =	simm.s32 @p3 $0x3F80  }
0x23: {  	s15 =	ssub.s32 @!p1 s17, s15;
	s14 =	ssub.s32 @!p1 s16, s14  }
0x24: {  	s18 =	smov.u32 s12;
	s16 =	sadd.s32 @!p1 $0xFFFFFC98, s15;
	s17 =	sadd.s32 @!p1 $0xFFFFC080, s14  }
0x25: {  	s15 =	ssub.s32 @!p1 $0x3E8, s15;
	p2 =	sgt.s32 @!p1 s16, $0x7F;
	p3 =	sgt.s32 @!p1 s17, $0x7F  }
0x26: {  	s14 =	ssub.s32 @!p1 $0x4000, s14;
	p2 =	por !p2, p1;
	p3 =	por !p3, p1  }
0x27: {  	s16 =	sadd.s32 $0x80, s11;
	s15 =	simm.s32 @!p2 $0x0;
	s14 =	simm.s32 @!p3 $0x0  }
0x28: {  	p2 =	sgt.s32 s16, $0x3E7;
	s14 =	smul.u32 @!p1 s14, s15;
	s15 =	sadd.s32 $0x1000, s12  }
0x29: {  	s18 =	smov.u32 @p2 s15  }
0x2a: {  	s16 =	simm.s32 @p2 $0x0;
	p2 =	sgt.s32 s18, $0x3FFF  }
0x2b: {  	s18 =	smov.u32 @p2 s2;
	p2 =	sne.s32 s13, s7  }
.Ltmp1:
0x2c: {  	p0 =	por !p0, !p0;
	s17 =	simm.s32 @!p1 $0x2;
	(pc) =	sbr.rel @!p2 .LBB1_6-.Ltmp1, $4  }
0x2d: {  	s15 =	smov.u32 s9;
	s9 =	smov.u32 s11;
	s14 =	sand.u32 @!p1 $0x3FFFFFFF, s14  }
0x2e: {  	s11 =	smov.u32 s16;
	_ =	swait.ge @!p1 [sflag:s17], s14;
	s19 =	ssub.s32 @!p1 $0x0, s14  }
0x2f: {  	s14 =	smov.u32 s10;
	s13 =	sadd.s32 $0x1, s13;
	[sflag:s17] =	ssyncset.done @!p1 $0x0  }
0x30: {  	s10 =	smov.u32 s12;
	s12 =	smov.u32 s18;
	[sflag:s17] =	ssyncadd.s32 @!p1 s19  }
.LBB1_1:
0x31: {  	p1 =	sge.u32 s13, s6  }
0x32: {  	s31 =	sadd.s32 $0xFFFFFFFF, s13;
	s16 =	sshll.u32 @!p1 s12, $0xA  }
0x33: {  	s17 =	sshll.u32 @!p1 s11, $0x3;
	s18 =	sshll.u32 @!p1 s12, $0x7;
	s16 =	sand.u32 @!p1 $0xFFE000, s16  }
0x34: {  	s19 =	sand.u32 @!p1 $0x78, s11;
	s16 =	sadd.s32 @!p1 s16, s17;
	s17 =	sand.u32 @!p1 $0x380, s18  }
0x35: {  	s18 =	sxor.u32 @!p1 $0xFFFFFFFF, s13;
	s16 =	sand.u32 @!p1 $0xFFFC00, s16;
	s17 =	sor.u32 @!p1 s17, s19  }
0x36: {  	s18 =	sshll.u32 @!p1 s18, $0xE;
	s16 =	sor.u32 @!p1 s16, s17;
	s17 =	sand.u32 @!p1 $0x7, s11  }
0x37: {  	s19 =	simm.s32 @!p1 $0x2000;
	s16 =	sshrl.u32 @!p1 s16, $0x3;
	s17 =	sshll.u32 @!p1 s17, $0x12  }
0x38: {  	s18 =	sand.u32 @!p1 $0x4000, s18;
	s16 =	sadd.s32 @!p1 s5, s16;
	s17 =	sor.u32 @!p1 $0x400, s17  }
0x39: {  	[tilespmem:s18], [sflag:$0x1] =	stream.strided.gather @!p1 [hbm4b:s16+s17], $0x4000, s19, s17, $0x38;
	[tilespmem:$0x10100] =	vst v63  }
0x3a: {  	p1 =	sge.u32 s31, s6  }
.Ltmp2:
0x3b: {  	_ = 	snop;
	(pc) =	sbr.rel @p1 .LBB1_5-.Ltmp2, $1  }
0x3c: {  	_ =	sdelay $0x3  }
0x3d: {  	s16 =	simm.s32 $0x1  }
0x3e: {  	_ =	swait.ge [sflag:s4], $0x4000;
	s16 =	simm.s32 @!p0 $0x0  }
0x3f: {  	[sflag:s4] =	ssyncset.done $0x0;
	s17 =	sshll.u32 s16, $0xE  }
0x40: {  	[sflag:s4] =	ssyncadd.s32 $0xFFFFC000;
	s17 =	sor.u32 $0x40, s17  }
0x41: {  	s16 =	smul.u32 $0x10200, s16;
	v0 =	vld [tilespmem:s17+$0x30]  }
0x42: {  	v1 =	vld [tilespmem:s17+$0xFFFFFFD0]  }
0x43: {  	s16 =	sshrl.u32 s16, $0x2;
	v5 =	vld [tilespmem:s17+$0xFFFFFFE0]  }
0x44: {  	v6 =	vld [tilespmem:s17+$0xFFFFFFF0];
	s19 =	sor.u32 $0x8000, s16  }
0x45: {  	s31 =	sand.u32 $0x1, s13;
	v4 =	vld [tilespmem:s17+$0x0];
	s18 =	sadd.s32 $0x0, s19  }
0x46: {  	v3 =	vld [tilespmem:s17+$0x10];
	s16 =	smul.u32 $0x10200, s31;
	[tilespmem:s18+$0x3870 ss:$0x81] =	vst.msk $0xffff, v0  }
0x47: {  	v2 =	vld [tilespmem:s17+$0x20];
	[tilespmem:s18+$0x810 ss:$0x81] =	vst.msk $0xffff, v1  }
0x48: {  	s16 =	sshrl.u32 s16, $0x2;
	v1 =	vld [tilespmem:s17+$0xFFFFFFC0];
	[tilespmem:s18+$0x1020 ss:$0x81] =	vst.msk $0xffff, v5;
	s17 =	sadd.s32 $0x80, s17  }
0x49: {  	s20 =	simm.s32 $0x4;
	s21 =	simm.s32 $0x8;
	s16 =	sor.u32 $0x8000, s16;
	[tilespmem:s18+$0x1830 ss:$0x81] =	vst.msk $0xffff, v6;
	v0 =	vld [tilespmem:s17+$0x30]  }
.LBB1_3:
0x4a: {  	p1 =	sne.s32 s21, $0x1FC;
	v5 =	vld [tilespmem:s17+$0xFFFFFFD0];
	[tilespmem:s18+$0x2040 ss:$0x81] =	vst.msk $0xffff, v4  }
0x4b: {  	v6 =	vld [tilespmem:s17+$0xFFFFFFE0];
	[tilespmem:s18+$0x2850 ss:$0x81] =	vst.msk $0xffff, v3  }
0x4c: {  	s22 =	sshra.s32 s20, $0x2;
	s20 =	smov.u32 s21;
	v7 =	vld [tilespmem:s17+$0xFFFFFFF0];
	[tilespmem:s18+$0x3060 ss:$0x81] =	vst.msk $0xffff, v2  }
.Ltmp3:
0x4d: {  	v4 =	vld [tilespmem:s17+$0x0];
	[tilespmem:s18+$0x0 ss:$0x81] =	vst.msk $0xffff, v1;
	s18 =	sadd.s32 s22, s19;
	(pc) =	sbr.rel @p1 .LBB1_3-.Ltmp3, $4  }
0x4e: {  	v3 =	vld [tilespmem:s17+$0x10];
	[tilespmem:s18+$0x3870 ss:$0x81] =	vst.msk $0xffff, v0  }
0x4f: {  	[tilespmem:s18+$0x810 ss:$0x81] =	vst.msk $0xffff, v5;
	v2 =	vld [tilespmem:s17+$0x20]  }
0x50: {  	v1 =	vld [tilespmem:s17+$0xFFFFFFC0];
	[tilespmem:s18+$0x1020 ss:$0x81] =	vst.msk $0xffff, v6;
	s17 =	sadd.s32 $0x80, s17  }
0x51: {  	s21 =	sadd.s32 $0x4, s21;
	v0 =	vld [tilespmem:s17+$0x30];
	[tilespmem:s18+$0x1830 ss:$0x81] =	vst.msk $0xffff, v7  }
.Ltmp4:
0x52: {  	_ = 	snop;
	(pc) =	sbr.rel .LBB1_4-.Ltmp4, $1  }
0x53: {  	_ =	sdelay $0x3  }
.LBB1_6:
0x54: {  	_ =	sfence.sel $0x180000  }
0x55: {  	s2 =	simm.s32 $0x1;
	[bflag:$0x0] =	sbarrier.arrive $0xFFFF  }
0x56: {  	s31 =	simm.s32 $0x2;
	[sflag:s2] =	ssyncpa.u1 $0x1  }
0x57: {  	[sflag:s31] =	ssyncpa.u1 $0x1  }
0x58: {  	p0 =	sne.s32 s0, $0x0;
	_ =	strace $0x9000004A  }
0x59: {  	s0 =	sadd.s32 @!p0 $0x100000, s1;
	[bflag:$0x2] =	sbarrier.arrive $0xFFFF  }
0x5a: {  	[sflag:s0] =	ssyncadd.tile.s32 @!p0 $0x1;
	_ =	shalt  }
.Lfunc_end1:
_tile_overlayer_lowered:
.L_overlay_start_2:
0x5b: {  	(tag) =	ssettag $0x2  }
0x5c: {  	s0 =	rddreg [dreg:$0x0];
	s2 =	stileid.u32  }
0x5d: {  	s1 =	rddreg [dreg:$0x1];
	p0 =	sne.s32 s2, $0x0  }
0x5e: {  	s3 =	rddreg [dreg:$0x2];
	[bflag:$0x3] =	sbarrier.arrive $0xFFFF;
	s2 =	simm.s32 @!p0 $0x1C01  }
0x5f: {  	[timem:s3], [sflag:s2] =	dma.local @!p0 [hbm:s0], s1  }
0x60: {  	s0 =	simm.s32 @!p0 $0x1  }
0x61: {  	_ =	swait.ge @!p0 [sflag:s0], s1  }
0x62: {  	s1 =	ssub.s32 @!p0 $0x0, s1;
	[sflag:s0] =	ssyncset.done @!p0 $0x0  }
0x63: {  	[sflag:s0] =	ssyncadd.s32 @!p0 s1  }
0x64: {  	[bflag:$0x3] =	sbarrier.arrive $0xFFFF  }
0x65: {  	_ =	shalt  }

</sc_bundles>
